<compile_context>
chip_gen: v7x
topology: tpu7x:2x2x1
jax: 0.10.2.dev20260603
libtpu: 0.0.44.dev20260713+nightly
codegen_flags: <defaults>
</compile_context>

<pallas_src>
import functools

import jax
import jax.numpy as jnp
from jax import lax
from jax.experimental import pallas as pl
from jax.experimental.pallas import tpu as pltpu
from jax.experimental.pallas import tpu_sc as plsc

BATCH = 16384
D = 32
NC = 2
NS = 16
NW = NC * NS
BPW = BATCH // NW
RPB = 128 // D
HCH = BPW // 2

_mesh = plsc.VectorSubcoreMesh(core_axis_name="c", subcore_axis_name="s")


@functools.partial(
    pl.kernel,
    mesh=_mesh,
    compiler_params=pltpu.CompilerParams(needs_layout_passes=False,
                                         use_tc_tiling_on_sc=True),
    out_type=jax.ShapeDtypeStruct((BATCH,), jnp.float32),
    scratch_types=[
        pltpu.VMEM((BPW,), jnp.int32),
        pltpu.VMEM((BPW,), jnp.int32),
        pltpu.VMEM((BPW,), jnp.int32),
        pltpu.VMEM((BPW,), jnp.int32),
        pltpu.VMEM((HCH, 128), jnp.float32),
        pltpu.VMEM((HCH, 128), jnp.float32),
        pltpu.VMEM((BPW,), jnp.float32),
        pltpu.SemaphoreType.DMA,
        pltpu.SemaphoreType.DMA,
    ],
)
def _mf_kernel(uidx_hbm, midx_hbm, utab_hbm, mtab_hbm, out_hbm,
               uidx_v, midx_v, urow_v, mrow_v, ubuf_v, mbuf_v, out_v,
               sem_u, sem_m):
    wid = lax.axis_index("s") * NC + lax.axis_index("c")
    base = wid * BPW

    pltpu.sync_copy(uidx_hbm.at[pl.ds(base, BPW)], uidx_v)
    pltpu.sync_copy(midx_hbm.at[pl.ds(base, BPW)], midx_v)

    def rid_body(i, carry):
        sl = pl.ds(i * 16, 16)
        urow_v[sl] = lax.shift_right_logical(uidx_v[sl], 2)
        mrow_v[sl] = lax.shift_right_logical(midx_v[sl], 2)
        return carry

    lax.fori_loop(0, BPW // 16, rid_body, 0)

    lanes = lax.iota(jnp.int32, 16)

    for h in range(2):
        hsl = pl.ds(h * HCH, HCH)
        pltpu.async_copy(utab_hbm.at[urow_v.at[hsl]], ubuf_v, sem_u)
        pltpu.async_copy(mtab_hbm.at[mrow_v.at[hsl]], mbuf_v, sem_m)
        pltpu.make_async_copy(utab_hbm.at[urow_v.at[hsl]], ubuf_v, sem_u).wait()
        pltpu.make_async_copy(mtab_hbm.at[mrow_v.at[hsl]], mbuf_v, sem_m).wait()

        def dot_body(g, carry):
            gsl = pl.ds(h * HCH + g * 16, 16)
            slots = g * 16 + lanes
            uoff = (uidx_v[gsl] & (RPB - 1)) * D
            moff = (midx_v[gsl] & (RPB - 1)) * D
            acc = (plsc.load_gather(ubuf_v, [slots, uoff])
                   * plsc.load_gather(mbuf_v, [slots, moff]))
            for d in range(1, D):
                acc = acc + (plsc.load_gather(ubuf_v, [slots, uoff + d])
                             * plsc.load_gather(mbuf_v, [slots, moff + d]))
            out_v[gsl] = acc
            return carry

        lax.fori_loop(0, HCH // 16, dot_body, 0)

    pltpu.sync_copy(out_v, out_hbm.at[pl.ds(base, BPW)])


def kernel(user_idx, movie_idx, user_table, movie_table):
    utab = user_table.reshape(1000000 // RPB, 128)
    mtab = movie_table.reshape(1000000 // RPB, 128)
    return _mf_kernel(user_idx, movie_idx, utab, mtab)

# --- scband reference (transcript-rebuilt; emitter-appended) ---
"""Pipeline reference for scband-matrix-factorization-6794638262830 (READ-ONLY COPY).

The authoritative reference and input builder live on the scoring server;
editing this copy changes nothing except your own understanding.
"""

import jax, jax.numpy as jnp
import numpy as np

NUM_USERS = 1000000
NUM_MOVIES = 1000000
EMBED_DIM = 32
BATCH = 16384

def setup_inputs(seed: int = 0) -> dict:
    key = jax.random.key(seed)
    k1, k2, k3, k4 = jax.random.split(key, 4)
    user_idx = jax.random.randint(k1, (BATCH,), 0, NUM_USERS, dtype=jnp.int64 if jax.config.jax_enable_x64 else jnp.int32)
    movie_idx = jax.random.randint(k2, (BATCH,), 0, NUM_MOVIES, dtype=jnp.int64 if jax.config.jax_enable_x64 else jnp.int32)
    user_table = jax.random.normal(k3, (NUM_USERS, EMBED_DIM), dtype=jnp.float32)
    movie_table = jax.random.normal(k4, (NUM_MOVIES, EMBED_DIM), dtype=jnp.float32)
    # padding_idx=0: row 0 is fixed to zeros (nn.Embedding default init for padding row)
    user_table = user_table.at[0].set(0.0)
    movie_table = movie_table.at[0].set(0.0)
    return {"user_idx": user_idx, "movie_idx": movie_idx, "user_table": user_table, "movie_table": movie_table}

def reference(user_idx, movie_idx, user_table, movie_table):
    # Embedding lookups (gather). padding_idx=0 rows are zeros in the tables,
    # matching torch nn.Embedding(padding_idx=0) semantics.
    user_emb = jnp.take(user_table, user_idx, axis=0)
    movie_emb = jnp.take(movie_table, movie_idx, axis=0)
    rating = jnp.sum(user_emb * movie_emb, axis=1)
    return rating

if __name__ == "__main__":
    import jax
    _d = setup_inputs()
    print(jax.jit(kernel)(*tuple(_d.values())))

</pallas_src>

<mosaic_0001>
#map = affine_map<(d0, d1) -> (0)>
#map1 = affine_map<(d0, d1) -> (0, 0)>
module attributes {stable_mosaic.version = 14 : i64} {
  func.func @_mf_kernel(%arg0: i32, %arg1: i32, %arg2: memref<16384xi32, #tpu.memory_space<hbm>>, %arg3: memref<16384xi32, #tpu.memory_space<hbm>>, %arg4: memref<250000x128xf32, #tpu.memory_space<hbm>>, %arg5: memref<250000x128xf32, #tpu.memory_space<hbm>>, %arg6: memref<16384xf32, #tpu.memory_space<hbm>>, %arg7: memref<512xi32, #tpu.memory_space<vmem>>, %arg8: memref<512xi32, #tpu.memory_space<vmem>>, %arg9: memref<512xi32, #tpu.memory_space<vmem>>, %arg10: memref<512xi32, #tpu.memory_space<vmem>>, %arg11: memref<256x128xf32, #tpu.memory_space<vmem>>, %arg12: memref<256x128xf32, #tpu.memory_space<vmem>>, %arg13: memref<512xf32, #tpu.memory_space<vmem>>, %arg14: memref<!tpu.dma_semaphore, #tpu.memory_space<semaphore_mem>>, %arg15: memref<!tpu.dma_semaphore, #tpu.memory_space<semaphore_mem>>) attributes {dimension_semantics = [#tpu.dimension_semantics<core_parallel>, #tpu.dimension_semantics<subcore_parallel>], iteration_bounds = array<i64: 2, 16>, scalar_prefetch = 0 : i64, scratch_operands = 9 : i64, tpu.core_type = #tpu.core_type<sc_vector_subcore>, window_params = [{transform_indices = #map}, {transform_indices = #map}, {transform_indices = #map1}, {transform_indices = #map1}, {transform_indices = #map}]} {
    %mul3A = arith.constant 2 : i32
    %mul3A_0 = arith.muli %arg1, %mul3A : i32
    %add3A = arith.addi %mul3A_0, %arg0 : i32
    %mul3A_1 = arith.constant 512 : i32
    %mul3A_2 = arith.muli %add3A, %mul3A_1 : i32
    "tpu.region"() ({
      %run_scoped3A = tpu.sem_alloc : memref<!tpu.dma_semaphore, #tpu.memory_space<semaphore_mem>>
      %dma_start3A_58 = tpu.memref_slice %arg2[%mul3A_2] : memref<16384xi32, #tpu.memory_space<hbm>> -> memref<512xi32, #tpu.memory_space<hbm>>
      %dma_start3A_59 = tpu.memref_slice %arg2[%mul3A_2] : memref<16384xi32, #tpu.memory_space<hbm>> -> memref<512xi32, #tpu.memory_space<hbm>>
      tpu.enqueue_dma source(%dma_start3A_59 : memref<512xi32, #tpu.memory_space<hbm>>) target(%arg7 : memref<512xi32, #tpu.memory_space<vmem>>) target_semaphore(%run_scoped3A : memref<!tpu.dma_semaphore, #tpu.memory_space<semaphore_mem>>)
      %dma_wait3A_60 = tpu.memref_slice %arg2[%mul3A_2] : memref<16384xi32, #tpu.memory_space<hbm>> -> memref<512xi32, #tpu.memory_space<hbm>>
      %dma_wait3A_61 = tpu.memref_slice %arg2[%mul3A_2] : memref<16384xi32, #tpu.memory_space<hbm>> -> memref<512xi32, #tpu.memory_space<hbm>>
      tpu.wait_dma2 semaphore(%run_scoped3A : memref<!tpu.dma_semaphore, #tpu.memory_space<semaphore_mem>>) src(%dma_wait3A_61 : memref<512xi32, #tpu.memory_space<hbm>>) dst(%arg7 : memref<512xi32, #tpu.memory_space<vmem>>)
      tpu.yield
    }) : () -> ()
    "tpu.region"() ({
      %run_scoped3A = tpu.sem_alloc : memref<!tpu.dma_semaphore, #tpu.memory_space<semaphore_mem>>
      %dma_start3A_58 = tpu.memref_slice %arg3[%mul3A_2] : memref<16384xi32, #tpu.memory_space<hbm>> -> memref<512xi32, #tpu.memory_space<hbm>>
      %dma_start3A_59 = tpu.memref_slice %arg3[%mul3A_2] : memref<16384xi32, #tpu.memory_space<hbm>> -> memref<512xi32, #tpu.memory_space<hbm>>
      tpu.enqueue_dma source(%dma_start3A_59 : memref<512xi32, #tpu.memory_space<hbm>>) target(%arg8 : memref<512xi32, #tpu.memory_space<vmem>>) target_semaphore(%run_scoped3A : memref<!tpu.dma_semaphore, #tpu.memory_space<semaphore_mem>>)
      %dma_wait3A_60 = tpu.memref_slice %arg3[%mul3A_2] : memref<16384xi32, #tpu.memory_space<hbm>> -> memref<512xi32, #tpu.memory_space<hbm>>
      %dma_wait3A_61 = tpu.memref_slice %arg3[%mul3A_2] : memref<16384xi32, #tpu.memory_space<hbm>> -> memref<512xi32, #tpu.memory_space<hbm>>
      tpu.wait_dma2 semaphore(%run_scoped3A : memref<!tpu.dma_semaphore, #tpu.memory_space<semaphore_mem>>) src(%dma_wait3A_61 : memref<512xi32, #tpu.memory_space<hbm>>) dst(%arg8 : memref<512xi32, #tpu.memory_space<vmem>>)
      tpu.yield
    }) : () -> ()
    %scan3A = arith.constant 0 : i32
    %scan3A_3 = arith.constant 0 : i32
    %scan3A_4 = arith.constant 32 : i32
    %scan3A_5 = arith.addi %scan3A_3, %scan3A_4 : i32
    %scan3A_6 = arith.constant 1 : i32
    scf.for %scan3A_58 = %scan3A_3 to %scan3A_5 step %scan3A_6  : i32 {
      %mul3A_59 = arith.constant 16 : i32
      %mul3A_60 = arith.muli %scan3A_58, %mul3A_59 : i32
      %get3A = arith.index_cast %mul3A_60 : i32 to index
      %get3A_61 = tpu.vector_load %arg7[%get3A] {strides = array<i32>} : memref<512xi32, #tpu.memory_space<vmem>>, vector<16xi32>,
      %shift_right_logical3A = arith.constant 2 : i32
      %shift_right_logical3A_62 = vector.broadcast %shift_right_logical3A : i32 to vector<16xi32>
      %shift_right_logical3A_63 = arith.shrui %get3A_61, %shift_right_logical3A_62 : vector<16xi32>
      %swap3A = arith.index_cast %mul3A_60 : i32 to index
      %swap3A_64 = tpu.vector_load %arg9[%swap3A] {strides = array<i32>} : memref<512xi32, #tpu.memory_space<vmem>>, vector<16xi32>,
      tpu.vector_store %arg9[%swap3A], %shift_right_logical3A_63 {strides = array<i32>} : memref<512xi32, #tpu.memory_space<vmem>>, vector<16xi32>,
      %get3A_65 = arith.index_cast %mul3A_60 : i32 to index
      %get3A_66 = tpu.vector_load %arg8[%get3A_65] {strides = array<i32>} : memref<512xi32, #tpu.memory_space<vmem>>, vector<16xi32>,
      %shift_right_logical3A_67 = arith.constant 2 : i32
      %shift_right_logical3A_68 = vector.broadcast %shift_right_logical3A_67 : i32 to vector<16xi32>
      %shift_right_logical3A_69 = arith.shrui %get3A_66, %shift_right_logical3A_68 : vector<16xi32>
      %swap3A_70 = arith.index_cast %mul3A_60 : i32 to index
      %swap3A_71 = tpu.vector_load %arg10[%swap3A_70] {strides = array<i32>} : memref<512xi32, #tpu.memory_space<vmem>>, vector<16xi32>,
      tpu.vector_store %arg10[%swap3A_70], %shift_right_logical3A_69 {strides = array<i32>} : memref<512xi32, #tpu.memory_space<vmem>>, vector<16xi32>,
    }
    %scan3A_7 = arith.constant 32 : i32
    %iota3A = tpu.iota {dimensions = array<i32: 0>} : vector<16xi32>
    %dma_start3A = arith.constant 0 : i32
    %dma_start3A_8 = tpu.memref_slice %arg9[%dma_start3A] : memref<512xi32, #tpu.memory_space<vmem>> -> memref<256xi32, #tpu.memory_space<vmem>>
    %dma_start3A_9 = arith.constant 0 : i32
    %dma_start3A_10 = arith.constant 0 : i32
    %dma_start3A_11 = tpu.memref_slice %arg4[%dma_start3A_9, %dma_start3A_10] : memref<250000x128xf32, #tpu.memory_space<hbm>> -> memref<250000x128xf32, #tpu.memory_space<hbm>>
    tpu.enqueue_indirect_dma source(%dma_start3A_11 : memref<250000x128xf32, #tpu.memory_space<hbm>>) target(%arg11 : memref<256x128xf32, #tpu.memory_space<vmem>>) offsets(%dma_start3A_8 : memref<256xi32, #tpu.memory_space<vmem>>) semaphore(%arg14 : memref<!tpu.dma_semaphore, #tpu.memory_space<semaphore_mem>>)
    %dma_start3A_12 = arith.constant 0 : i32
    %dma_start3A_13 = tpu.memref_slice %arg10[%dma_start3A_12] : memref<512xi32, #tpu.memory_space<vmem>> -> memref<256xi32, #tpu.memory_space<vmem>>
    %dma_start3A_14 = arith.constant 0 : i32
    %dma_start3A_15 = arith.constant 0 : i32
    %dma_start3A_16 = tpu.memref_slice %arg5[%dma_start3A_14, %dma_start3A_15] : memref<250000x128xf32, #tpu.memory_space<hbm>> -> memref<250000x128xf32, #tpu.memory_space<hbm>>
    tpu.enqueue_indirect_dma source(%dma_start3A_16 : memref<250000x128xf32, #tpu.memory_space<hbm>>) target(%arg12 : memref<256x128xf32, #tpu.memory_space<vmem>>) offsets(%dma_start3A_13 : memref<256xi32, #tpu.memory_space<vmem>>) semaphore(%arg15 : memref<!tpu.dma_semaphore, #tpu.memory_space<semaphore_mem>>)
    %dma_wait3A = arith.constant 0 : i32
    %dma_wait3A_17 = tpu.memref_slice %arg9[%dma_wait3A] : memref<512xi32, #tpu.memory_space<vmem>> -> memref<256xi32, #tpu.memory_space<vmem>>
    %dma_wait3A_18 = arith.constant 0 : i32
    %dma_wait3A_19 = arith.constant 0 : i32
    %dma_wait3A_20 = tpu.memref_slice %arg4[%dma_wait3A_18, %dma_wait3A_19] : memref<250000x128xf32, #tpu.memory_space<hbm>> -> memref<250000x128xf32, #tpu.memory_space<hbm>>
    tpu.wait_indirect_dma semaphore(%arg14 : memref<!tpu.dma_semaphore, #tpu.memory_space<semaphore_mem>>) src(%dma_wait3A_20 : memref<250000x128xf32, #tpu.memory_space<hbm>>) dst(%arg11 : memref<256x128xf32, #tpu.memory_space<vmem>>)
    %dma_wait3A_21 = arith.constant 0 : i32
    %dma_wait3A_22 = tpu.memref_slice %arg10[%dma_wait3A_21] : memref<512xi32, #tpu.memory_space<vmem>> -> memref<256xi32, #tpu.memory_space<vmem>>
    %dma_wait3A_23 = arith.constant 0 : i32
    %dma_wait3A_24 = arith.constant 0 : i32
    %dma_wait3A_25 = tpu.memref_slice %arg5[%dma_wait3A_23, %dma_wait3A_24] : memref<250000x128xf32, #tpu.memory_space<hbm>> -> memref<250000x128xf32, #tpu.memory_space<hbm>>
    tpu.wait_indirect_dma semaphore(%arg15 : memref<!tpu.dma_semaphore, #tpu.memory_space<semaphore_mem>>) src(%dma_wait3A_25 : memref<250000x128xf32, #tpu.memory_space<hbm>>) dst(%arg12 : memref<256x128xf32, #tpu.memory_space<vmem>>)
    %scan3A_26 = arith.constant 0 : i32
    %scan3A_27 = arith.constant 0 : i32
    %scan3A_28 = arith.constant 16 : i32
    %scan3A_29 = arith.addi %scan3A_27, %scan3A_28 : i32
    %scan3A_30 = arith.constant 1 : i32
    scf.for %scan3A_58 = %scan3A_27 to %scan3A_29 step %scan3A_30  : i32 {
      %mul3A_59 = arith.constant 16 : i32
      %mul3A_60 = arith.muli %scan3A_58, %mul3A_59 : i32
      %add3A_61 = arith.constant 0 : i32
      %add3A_62 = arith.addi %add3A_61, %mul3A_60 : i32
      %mul3A_63 = arith.constant 16 : i32
      %mul3A_64 = arith.muli %scan3A_58, %mul3A_63 : i32
      %add3A_65 = vector.broadcast %mul3A_64 : i32 to vector<16xi32>
      %add3A_66 = arith.addi %add3A_65, %iota3A : vector<16xi32>
      %get3A = arith.index_cast %add3A_62 : i32 to index
      %get3A_67 = tpu.vector_load %arg7[%get3A] {strides = array<i32>} : memref<512xi32, #tpu.memory_space<vmem>>, vector<16xi32>,
      %and3A = arith.constant 3 : i32
      %and3A_68 = vector.broadcast %and3A : i32 to vector<16xi32>
      %and3A_69 = arith.andi %get3A_67, %and3A_68 : vector<16xi32>
      %mul3A_70 = arith.constant 32 : i32
      %mul3A_71 = vector.broadcast %mul3A_70 : i32 to vector<16xi32>
      %mul3A_72 = arith.muli %and3A_69, %mul3A_71 : vector<16xi32>
      %get3A_73 = arith.index_cast %add3A_62 : i32 to index
      %get3A_74 = tpu.vector_load %arg8[%get3A_73] {strides = array<i32>} : memref<512xi32, #tpu.memory_space<vmem>>, vector<16xi32>,
      %and3A_75 = arith.constant 3 : i32
      %and3A_76 = vector.broadcast %and3A_75 : i32 to vector<16xi32>
      %and3A_77 = arith.andi %get3A_74, %and3A_76 : vector<16xi32>
      %mul3A_78 = arith.constant 32 : i32
      %mul3A_79 = vector.broadcast %mul3A_78 : i32 to vector<16xi32>
      %mul3A_80 = arith.muli %and3A_77, %mul3A_79 : vector<16xi32>
      %gather3A = tpu.vector_load_idx %arg11[%add3A_66, %mul3A_72] : memref<256x128xf32, #tpu.memory_space<vmem>>[vector<16xi32>, vector<16xi32>], vector<16xf32>,
      %gather3A_81 = tpu.vector_load_idx %arg12[%add3A_66, %mul3A_80] : memref<256x128xf32, #tpu.memory_space<vmem>>[vector<16xi32>, vector<16xi32>], vector<16xf32>,
      %mul3A_82 = arith.mulf %gather3A, %gather3A_81 : vector<16xf32>
      %add3A_83 = arith.constant 1 : i32
      %add3A_84 = vector.broadcast %add3A_83 : i32 to vector<16xi32>
      %add3A_85 = arith.addi %mul3A_72, %add3A_84 : vector<16xi32>
      %gather3A_86 = tpu.vector_load_idx %arg11[%add3A_66, %add3A_85] : memref<256x128xf32, #tpu.memory_space<vmem>>[vector<16xi32>, vector<16xi32>], vector<16xf32>,
      %add3A_87 = arith.constant 1 : i32
      %add3A_88 = vector.broadcast %add3A_87 : i32 to vector<16xi32>
      %add3A_89 = arith.addi %mul3A_80, %add3A_88 : vector<16xi32>
      %gather3A_90 = tpu.vector_load_idx %arg12[%add3A_66, %add3A_89] : memref<256x128xf32, #tpu.memory_space<vmem>>[vector<16xi32>, vector<16xi32>], vector<16xf32>,
      %mul3A_91 = arith.mulf %gather3A_86, %gather3A_90 : vector<16xf32>
      %add3A_92 = arith.addf %mul3A_82, %mul3A_91 : vector<16xf32>
      %add3A_93 = arith.constant 2 : i32
      %add3A_94 = vector.broadcast %add3A_93 : i32 to vector<16xi32>
      %add3A_95 = arith.addi %mul3A_72, %add3A_94 : vector<16xi32>
      %gather3A_96 = tpu.vector_load_idx %arg11[%add3A_66, %add3A_95] : memref<256x128xf32, #tpu.memory_space<vmem>>[vector<16xi32>, vector<16xi32>], vector<16xf32>,
      %add3A_97 = arith.constant 2 : i32
      %add3A_98 = vector.broadcast %add3A_97 : i32 to vector<16xi32>
      %add3A_99 = arith.addi %mul3A_80, %add3A_98 : vector<16xi32>
      %gather3A_100 = tpu.vector_load_idx %arg12[%add3A_66, %add3A_99] : memref<256x128xf32, #tpu.memory_space<vmem>>[vector<16xi32>, vector<16xi32>], vector<16xf32>,
      %mul3A_101 = arith.mulf %gather3A_96, %gather3A_100 : vector<16xf32>
      %add3A_102 = arith.addf %add3A_92, %mul3A_101 : vector<16xf32>
      %add3A_103 = arith.constant 3 : i32
      %add3A_104 = vector.broadcast %add3A_103 : i32 to vector<16xi32>
      %add3A_105 = arith.addi %mul3A_72, %add3A_104 : vector<16xi32>
      %gather3A_106 = tpu.vector_load_idx %arg11[%add3A_66, %add3A_105] : memref<256x128xf32, #tpu.memory_space<vmem>>[vector<16xi32>, vector<16xi32>], vector<16xf32>,
      %add3A_107 = arith.constant 3 : i32
      %add3A_108 = vector.broadcast %add3A_107 : i32 to vector<16xi32>
      %add3A_109 = arith.addi %mul3A_80, %add3A_108 : vector<16xi32>
      %gather3A_110 = tpu.vector_load_idx %arg12[%add3A_66, %add3A_109] : memref<256x128xf32, #tpu.memory_space<vmem>>[vector<16xi32>, vector<16xi32>], vector<16xf32>,
      %mul3A_111 = arith.mulf %gather3A_106, %gather3A_110 : vector<16xf32>
      %add3A_112 = arith.addf %add3A_102, %mul3A_111 : vector<16xf32>
      %add3A_113 = arith.constant 4 : i32
      %add3A_114 = vector.broadcast %add3A_113 : i32 to vector<16xi32>
      %add3A_115 = arith.addi %mul3A_72, %add3A_114 : vector<16xi32>
      %gather3A_116 = tpu.vector_load_idx %arg11[%add3A_66, %add3A_115] : memref<256x128xf32, #tpu.memory_space<vmem>>[vector<16xi32>, vector<16xi32>], vector<16xf32>,
      %add3A_117 = arith.constant 4 : i32
      %add3A_118 = vector.broadcast %add3A_117 : i32 to vector<16xi32>
      %add3A_119 = arith.addi %mul3A_80, %add3A_118 : vector<16xi32>
      %gather3A_120 = tpu.vector_load_idx %arg12[%add3A_66, %add3A_119] : memref<256x128xf32, #tpu.memory_space<vmem>>[vector<16xi32>, vector<16xi32>], vector<16xf32>,
      %mul3A_121 = arith.mulf %gather3A_116, %gather3A_120 : vector<16xf32>
      %add3A_122 = arith.addf %add3A_112, %mul3A_121 : vector<16xf32>
      %add3A_123 = arith.constant 5 : i32
      %add3A_124 = vector.broadcast %add3A_123 : i32 to vector<16xi32>
      %add3A_125 = arith.addi %mul3A_72, %add3A_124 : vector<16xi32>
      %gather3A_126 = tpu.vector_load_idx %arg11[%add3A_66, %add3A_125] : memref<256x128xf32, #tpu.memory_space<vmem>>[vector<16xi32>, vector<16xi32>], vector<16xf32>,
      %add3A_127 = arith.constant 5 : i32
      %add3A_128 = vector.broadcast %add3A_127 : i32 to vector<16xi32>
      %add3A_129 = arith.addi %mul3A_80, %add3A_128 : vector<16xi32>
      %gather3A_130 = tpu.vector_load_idx %arg12[%add3A_66, %add3A_129] : memref<256x128xf32, #tpu.memory_space<vmem>>[vector<16xi32>, vector<16xi32>], vector<16xf32>,
      %mul3A_131 = arith.mulf %gather3A_126, %gather3A_130 : vector<16xf32>
      %add3A_132 = arith.addf %add3A_122, %mul3A_131 : vector<16xf32>
      %add3A_133 = arith.constant 6 : i32
      %add3A_134 = vector.broadcast %add3A_133 : i32 to vector<16xi32>
      %add3A_135 = arith.addi %mul3A_72, %add3A_134 : vector<16xi32>
      %gather3A_136 = tpu.vector_load_idx %arg11[%add3A_66, %add3A_135] : memref<256x128xf32, #tpu.memory_space<vmem>>[vector<16xi32>, vector<16xi32>], vector<16xf32>,
      %add3A_137 = arith.constant 6 : i32
      %add3A_138 = vector.broadcast %add3A_137 : i32 to vector<16xi32>
      %add3A_139 = arith.addi %mul3A_80, %add3A_138 : vector<16xi32>
      %gather3A_140 = tpu.vector_load_idx %arg12[%add3A_66, %add3A_139] : memref<256x128xf32, #tpu.memory_space<vmem>>[vector<16xi32>, vector<16xi32>], vector<16xf32>,
      %mul3A_141 = arith.mulf %gather3A_136, %gather3A_140 : vector<16xf32>
      %add3A_142 = arith.addf %add3A_132, %mul3A_141 : vector<16xf32>
      %add3A_143 = arith.constant 7 : i32
      %add3A_144 = vector.broadcast %add3A_143 : i32 to vector<16xi32>
      %add3A_145 = arith.addi %mul3A_72, %add3A_144 : vector<16xi32>
      %gather3A_146 = tpu.vector_load_idx %arg11[%add3A_66, %add3A_145] : memref<256x128xf32, #tpu.memory_space<vmem>>[vector<16xi32>, vector<16xi32>], vector<16xf32>,
      %add3A_147 = arith.constant 7 : i32
      %add3A_148 = vector.broadcast %add3A_147 : i32 to vector<16xi32>
      %add3A_149 = arith.addi %mul3A_80, %add3A_148 : vector<16xi32>
      %gather3A_150 = tpu.vector_load_idx %arg12[%add3A_66, %add3A_149] : memref<256x128xf32, #tpu.memory_space<vmem>>[vector<16xi32>, vector<16xi32>], vector<16xf32>,
      %mul3A_151 = arith.mulf %gather3A_146, %gather3A_150 : vector<16xf32>
      %add3A_152 = arith.addf %add3A_142, %mul3A_151 : vector<16xf32>
      %add3A_153 = arith.constant 8 : i32
      %add3A_154 = vector.broadcast %add3A_153 : i32 to vector<16xi32>
      %add3A_155 = arith.addi %mul3A_72, %add3A_154 : vector<16xi32>
      %gather3A_156 = tpu.vector_load_idx %arg11[%add3A_66, %add3A_155] : memref<256x128xf32, #tpu.memory_space<vmem>>[vector<16xi32>, vector<16xi32>], vector<16xf32>,
      %add3A_157 = arith.constant 8 : i32
      %add3A_158 = vector.broadcast %add3A_157 : i32 to vector<16xi32>
      %add3A_159 = arith.addi %mul3A_80, %add3A_158 : vector<16xi32>
      %gather3A_160 = tpu.vector_load_idx %arg12[%add3A_66, %add3A_159] : memref<256x128xf32, #tpu.memory_space<vmem>>[vector<16xi32>, vector<16xi32>], vector<16xf32>,
      %mul3A_161 = arith.mulf %gather3A_156, %gather3A_160 : vector<16xf32>
      %add3A_162 = arith.addf %add3A_152, %mul3A_161 : vector<16xf32>
      %add3A_163 = arith.constant 9 : i32
      %add3A_164 = vector.broadcast %add3A_163 : i32 to vector<16xi32>
      %add3A_165 = arith.addi %mul3A_72, %add3A_164 : vector<16xi32>
      %gather3A_166 = tpu.vector_load_idx %arg11[%add3A_66, %add3A_165] : memref<256x128xf32, #tpu.memory_space<vmem>>[vector<16xi32>, vector<16xi32>], vector<16xf32>,
      %add3A_167 = arith.constant 9 : i32
      %add3A_168 = vector.broadcast %add3A_167 : i32 to vector<16xi32>
      %add3A_169 = arith.addi %mul3A_80, %add3A_168 : vector<16xi32>
      %gather3A_170 = tpu.vector_load_idx %arg12[%add3A_66, %add3A_169] : memref<256x128xf32, #tpu.memory_space<vmem>>[vector<16xi32>, vector<16xi32>], vector<16xf32>,
      %mul3A_171 = arith.mulf %gather3A_166, %gather3A_170 : vector<16xf32>
      %add3A_172 = arith.addf %add3A_162, %mul3A_171 : vector<16xf32>
      %add3A_173 = arith.constant 10 : i32
      %add3A_174 = vector.broadcast %add3A_173 : i32 to vector<16xi32>
      %add3A_175 = arith.addi %mul3A_72, %add3A_174 : vector<16xi32>
      %gather3A_176 = tpu.vector_load_idx %arg11[%add3A_66, %add3A_175] : memref<256x128xf32, #tpu.memory_space<vmem>>[vector<16xi32>, vector<16xi32>], vector<16xf32>,
      %add3A_177 = arith.constant 10 : i32
      %add3A_178 = vector.broadcast %add3A_177 : i32 to vector<16xi32>
      %add3A_179 = arith.addi %mul3A_80, %add3A_178 : vector<16xi32>
      %gather3A_180 = tpu.vector_load_idx %arg12[%add3A_66, %add3A_179] : memref<256x128xf32, #tpu.memory_space<vmem>>[vector<16xi32>, vector<16xi32>], vector<16xf32>,
      %mul3A_181 = arith.mulf %gather3A_176, %gather3A_180 : vector<16xf32>
      %add3A_182 = arith.addf %add3A_172, %mul3A_181 : vector<16xf32>
      %add3A_183 = arith.constant 11 : i32
      %add3A_184 = vector.broadcast %add3A_183 : i32 to vector<16xi32>
      %add3A_185 = arith.addi %mul3A_72, %add3A_184 : vector<16xi32>
      %gather3A_186 = tpu.vector_load_idx %arg11[%add3A_66, %add3A_185] : memref<256x128xf32, #tpu.memory_space<vmem>>[vector<16xi32>, vector<16xi32>], vector<16xf32>,
      %add3A_187 = arith.constant 11 : i32
      %add3A_188 = vector.broadcast %add3A_187 : i32 to vector<16xi32>
      %add3A_189 = arith.addi %mul3A_80, %add3A_188 : vector<16xi32>
      %gather3A_190 = tpu.vector_load_idx %arg12[%add3A_66, %add3A_189] : memref<256x128xf32, #tpu.memory_space<vmem>>[vector<16xi32>, vector<16xi32>], vector<16xf32>,
      %mul3A_191 = arith.mulf %gather3A_186, %gather3A_190 : vector<16xf32>
      %add3A_192 = arith.addf %add3A_182, %mul3A_191 : vector<16xf32>
      %add3A_193 = arith.constant 12 : i32
      %add3A_194 = vector.broadcast %add3A_193 : i32 to vector<16xi32>
      %add3A_195 = arith.addi %mul3A_72, %add3A_194 : vector<16xi32>
      %gather3A_196 = tpu.vector_load_idx %arg11[%add3A_66, %add3A_195] : memref<256x128xf32, #tpu.memory_space<vmem>>[vector<16xi32>, vector<16xi32>], vector<16xf32>,
      %add3A_197 = arith.constant 12 : i32
      %add3A_198 = vector.broadcast %add3A_197 : i32 to vector<16xi32>
      %add3A_199 = arith.addi %mul3A_80, %add3A_198 : vector<16xi32>
      %gather3A_200 = tpu.vector_load_idx %arg12[%add3A_66, %add3A_199] : memref<256x128xf32, #tpu.memory_space<vmem>>[vector<16xi32>, vector<16xi32>], vector<16xf32>,
      %mul3A_201 = arith.mulf %gather3A_196, %gather3A_200 : vector<16xf32>
      %add3A_202 = arith.addf %add3A_192, %mul3A_201 : vector<16xf32>
      %add3A_203 = arith.constant 13 : i32
      %add3A_204 = vector.broadcast %add3A_203 : i32 to vector<16xi32>
      %add3A_205 = arith.addi %mul3A_72, %add3A_204 : vector<16xi32>
      %gather3A_206 = tpu.vector_load_idx %arg11[%add3A_66, %add3A_205] : memref<256x128xf32, #tpu.memory_space<vmem>>[vector<16xi32>, vector<16xi32>], vector<16xf32>,
      %add3A_207 = arith.constant 13 : i32
      %add3A_208 = vector.broadcast %add3A_207 : i32 to vector<16xi32>
      %add3A_209 = arith.addi %mul3A_80, %add3A_208 : vector<16xi32>
      %gather3A_210 = tpu.vector_load_idx %arg12[%add3A_66, %add3A_209] : memref<256x128xf32, #tpu.memory_space<vmem>>[vector<16xi32>, vector<16xi32>], vector<16xf32>,
      %mul3A_211 = arith.mulf %gather3A_206, %gather3A_210 : vector<16xf32>
      %add3A_212 = arith.addf %add3A_202, %mul3A_211 : vector<16xf32>
      %add3A_213 = arith.constant 14 : i32
      %add3A_214 = vector.broadcast %add3A_213 : i32 to vector<16xi32>
      %add3A_215 = arith.addi %mul3A_72, %add3A_214 : vector<16xi32>
      %gather3A_216 = tpu.vector_load_idx %arg11[%add3A_66, %add3A_215] : memref<256x128xf32, #tpu.memory_space<vmem>>[vector<16xi32>, vector<16xi32>], vector<16xf32>,
      %add3A_217 = arith.constant 14 : i32
      %add3A_218 = vector.broadcast %add3A_217 : i32 to vector<16xi32>
      %add3A_219 = arith.addi %mul3A_80, %add3A_218 : vector<16xi32>
      %gather3A_220 = tpu.vector_load_idx %arg12[%add3A_66, %add3A_219] : memref<256x128xf32, #tpu.memory_space<vmem>>[vector<16xi32>, vector<16xi32>], vector<16xf32>,
      %mul3A_221 = arith.mulf %gather3A_216, %gather3A_220 : vector<16xf32>
      %add3A_222 = arith.addf %add3A_212, %mul3A_221 : vector<16xf32>
      %add3A_223 = arith.constant 15 : i32
      %add3A_224 = vector.broadcast %add3A_223 : i32 to vector<16xi32>
      %add3A_225 = arith.addi %mul3A_72, %add3A_224 : vector<16xi32>
      %gather3A_226 = tpu.vector_load_idx %arg11[%add3A_66, %add3A_225] : memref<256x128xf32, #tpu.memory_space<vmem>>[vector<16xi32>, vector<16xi32>], vector<16xf32>,
      %add3A_227 = arith.constant 15 : i32
      %add3A_228 = vector.broadcast %add3A_227 : i32 to vector<16xi32>
      %add3A_229 = arith.addi %mul3A_80, %add3A_228 : vector<16xi32>
      %gather3A_230 = tpu.vector_load_idx %arg12[%add3A_66, %add3A_229] : memref<256x128xf32, #tpu.memory_space<vmem>>[vector<16xi32>, vector<16xi32>], vector<16xf32>,
      %mul3A_231 = arith.mulf %gather3A_226, %gather3A_230 : vector<16xf32>
      %add3A_232 = arith.addf %add3A_222, %mul3A_231 : vector<16xf32>
      %add3A_233 = arith.constant 16 : i32
      %add3A_234 = vector.broadcast %add3A_233 : i32 to vector<16xi32>
      %add3A_235 = arith.addi %mul3A_72, %add3A_234 : vector<16xi32>
      %gather3A_236 = tpu.vector_load_idx %arg11[%add3A_66, %add3A_235] : memref<256x128xf32, #tpu.memory_space<vmem>>[vector<16xi32>, vector<16xi32>], vector<16xf32>,
      %add3A_237 = arith.constant 16 : i32
      %add3A_238 = vector.broadcast %add3A_237 : i32 to vector<16xi32>
      %add3A_239 = arith.addi %mul3A_80, %add3A_238 : vector<16xi32>
      %gather3A_240 = tpu.vector_load_idx %arg12[%add3A_66, %add3A_239] : memref<256x128xf32, #tpu.memory_space<vmem>>[vector<16xi32>, vector<16xi32>], vector<16xf32>,
      %mul3A_241 = arith.mulf %gather3A_236, %gather3A_240 : vector<16xf32>
      %add3A_242 = arith.addf %add3A_232, %mul3A_241 : vector<16xf32>
      %add3A_243 = arith.constant 17 : i32
      %add3A_244 = vector.broadcast %add3A_243 : i32 to vector<16xi32>
      %add3A_245 = arith.addi %mul3A_72, %add3A_244 : vector<16xi32>
      %gather3A_246 = tpu.vector_load_idx %arg11[%add3A_66, %add3A_245] : memref<256x128xf32, #tpu.memory_space<vmem>>[vector<16xi32>, vector<16xi32>], vector<16xf32>,
      %add3A_247 = arith.constant 17 : i32
      %add3A_248 = vector.broadcast %add3A_247 : i32 to vector<16xi32>
      %add3A_249 = arith.addi %mul3A_80, %add3A_248 : vector<16xi32>
      %gather3A_250 = tpu.vector_load_idx %arg12[%add3A_66, %add3A_249] : memref<256x128xf32, #tpu.memory_space<vmem>>[vector<16xi32>, vector<16xi32>], vector<16xf32>,
      %mul3A_251 = arith.mulf %gather3A_246, %gather3A_250 : vector<16xf32>
      %add3A_252 = arith.addf %add3A_242, %mul3A_251 : vector<16xf32>
      %add3A_253 = arith.constant 18 : i32
      %add3A_254 = vector.broadcast %add3A_253 : i32 to vector<16xi32>
      %add3A_255 = arith.addi %mul3A_72, %add3A_254 : vector<16xi32>
      %gather3A_256 = tpu.vector_load_idx %arg11[%add3A_66, %add3A_255] : memref<256x128xf32, #tpu.memory_space<vmem>>[vector<16xi32>, vector<16xi32>], vector<16xf32>,
      %add3A_257 = arith.constant 18 : i32
      %add3A_258 = vector.broadcast %add3A_257 : i32 to vector<16xi32>
      %add3A_259 = arith.addi %mul3A_80, %add3A_258 : vector<16xi32>
      %gather3A_260 = tpu.vector_load_idx %arg12[%add3A_66, %add3A_259] : memref<256x128xf32, #tpu.memory_space<vmem>>[vector<16xi32>, vector<16xi32>], vector<16xf32>,
      %mul3A_261 = arith.mulf %gather3A_256, %gather3A_260 : vector<16xf32>
      %add3A_262 = arith.addf %add3A_252, %mul3A_261 : vector<16xf32>
      %add3A_263 = arith.constant 19 : i32
      %add3A_264 = vector.broadcast %add3A_263 : i32 to vector<16xi32>
      %add3A_265 = arith.addi %mul3A_72, %add3A_264 : vector<16xi32>
      %gather3A_266 = tpu.vector_load_idx %arg11[%add3A_66, %add3A_265] : memref<256x128xf32, #tpu.memory_space<vmem>>[vector<16xi32>, vector<16xi32>], vector<16xf32>,
      %add3A_267 = arith.constant 19 : i32
      %add3A_268 = vector.broadcast %add3A_267 : i32 to vector<16xi32>
      %add3A_269 = arith.addi %mul3A_80, %add3A_268 : vector<16xi32>
      %gather3A_270 = tpu.vector_load_idx %arg12[%add3A_66, %add3A_269] : memref<256x128xf32, #tpu.memory_space<vmem>>[vector<16xi32>, vector<16xi32>], vector<16xf32>,
      %mul3A_271 = arith.mulf %gather3A_266, %gather3A_270 : vector<16xf32>
      %add3A_272 = arith.addf %add3A_262, %mul3A_271 : vector<16xf32>
      %add3A_273 = arith.constant 20 : i32
      %add3A_274 = vector.broadcast %add3A_273 : i32 to vector<16xi32>
      %add3A_275 = arith.addi %mul3A_72, %add3A_274 : vector<16xi32>
      %gather3A_276 = tpu.vector_load_idx %arg11[%add3A_66, %add3A_275] : memref<256x128xf32, #tpu.memory_space<vmem>>[vector<16xi32>, vector<16xi32>], vector<16xf32>,
      %add3A_277 = arith.constant 20 : i32
      %add3A_278 = vector.broadcast %add3A_277 : i32 to vector<16xi32>
      %add3A_279 = arith.addi %mul3A_80, %add3A_278 : vector<16xi32>
      %gather3A_280 = tpu.vector_load_idx %arg12[%add3A_66, %add3A_279] : memref<256x128xf32, #tpu.memory_space<vmem>>[vector<16xi32>, vector<16xi32>], vector<16xf32>,
      %mul3A_281 = arith.mulf %gather3A_276, %gather3A_280 : vector<16xf32>
      %add3A_282 = arith.addf %add3A_272, %mul3A_281 : vector<16xf32>
      %add3A_283 = arith.constant 21 : i32
      %add3A_284 = vector.broadcast %add3A_283 : i32 to vector<16xi32>
      %add3A_285 = arith.addi %mul3A_72, %add3A_284 : vector<16xi32>
      %gather3A_286 = tpu.vector_load_idx %arg11[%add3A_66, %add3A_285] : memref<256x128xf32, #tpu.memory_space<vmem>>[vector<16xi32>, vector<16xi32>], vector<16xf32>,
      %add3A_287 = arith.constant 21 : i32
      %add3A_288 = vector.broadcast %add3A_287 : i32 to vector<16xi32>
      %add3A_289 = arith.addi %mul3A_80, %add3A_288 : vector<16xi32>
      %gather3A_290 = tpu.vector_load_idx %arg12[%add3A_66, %add3A_289] : memref<256x128xf32, #tpu.memory_space<vmem>>[vector<16xi32>, vector<16xi32>], vector<16xf32>,
      %mul3A_291 = arith.mulf %gather3A_286, %gather3A_290 : vector<16xf32>
      %add3A_292 = arith.addf %add3A_282, %mul3A_291 : vector<16xf32>
      %add3A_293 = arith.constant 22 : i32
      %add3A_294 = vector.broadcast %add3A_293 : i32 to vector<16xi32>
      %add3A_295 = arith.addi %mul3A_72, %add3A_294 : vector<16xi32>
      %gather3A_296 = tpu.vector_load_idx %arg11[%add3A_66, %add3A_295] : memref<256x128xf32, #tpu.memory_space<vmem>>[vector<16xi32>, vector<16xi32>], vector<16xf32>,
      %add3A_297 = arith.constant 22 : i32
      %add3A_298 = vector.broadcast %add3A_297 : i32 to vector<16xi32>
      %add3A_299 = arith.addi %mul3A_80, %add3A_298 : vector<16xi32>
      %gather3A_300 = tpu.vector_load_idx %arg12[%add3A_66, %add3A_299] : memref<256x128xf32, #tpu.memory_space<vmem>>[vector<16xi32>, vector<16xi32>], vector<16xf32>,
      %mul3A_301 = arith.mulf %gather3A_296, %gather3A_300 : vector<16xf32>
      %add3A_302 = arith.addf %add3A_292, %mul3A_301 : vector<16xf32>
      %add3A_303 = arith.constant 23 : i32
      %add3A_304 = vector.broadcast %add3A_303 : i32 to vector<16xi32>
      %add3A_305 = arith.addi %mul3A_72, %add3A_304 : vector<16xi32>
      %gather3A_306 = tpu.vector_load_idx %arg11[%add3A_66, %add3A_305] : memref<256x128xf32, #tpu.memory_space<vmem>>[vector<16xi32>, vector<16xi32>], vector<16xf32>,
      %add3A_307 = arith.constant 23 : i32
      %add3A_308 = vector.broadcast %add3A_307 : i32 to vector<16xi32>
      %add3A_309 = arith.addi %mul3A_80, %add3A_308 : vector<16xi32>
      %gather3A_310 = tpu.vector_load_idx %arg12[%add3A_66, %add3A_309] : memref<256x128xf32, #tpu.memory_space<vmem>>[vector<16xi32>, vector<16xi32>], vector<16xf32>,
      %mul3A_311 = arith.mulf %gather3A_306, %gather3A_310 : vector<16xf32>
      %add3A_312 = arith.addf %add3A_302, %mul3A_311 : vector<16xf32>
      %add3A_313 = arith.constant 24 : i32
      %add3A_314 = vector.broadcast %add3A_313 : i32 to vector<16xi32>
      %add3A_315 = arith.addi %mul3A_72, %add3A_314 : vector<16xi32>
      %gather3A_316 = tpu.vector_load_idx %arg11[%add3A_66, %add3A_315] : memref<256x128xf32, #tpu.memory_space<vmem>>[vector<16xi32>, vector<16xi32>], vector<16xf32>,
      %add3A_317 = arith.constant 24 : i32
      %add3A_318 = vector.broadcast %add3A_317 : i32 to vector<16xi32>
      %add3A_319 = arith.addi %mul3A_80, %add3A_318 : vector<16xi32>
      %gather3A_320 = tpu.vector_load_idx %arg12[%add3A_66, %add3A_319] : memref<256x128xf32, #tpu.memory_space<vmem>>[vector<16xi32>, vector<16xi32>], vector<16xf32>,
      %mul3A_321 = arith.mulf %gather3A_316, %gather3A_320 : vector<16xf32>
      %add3A_322 = arith.addf %add3A_312, %mul3A_321 : vector<16xf32>
      %add3A_323 = arith.constant 25 : i32
      %add3A_324 = vector.broadcast %add3A_323 : i32 to vector<16xi32>
      %add3A_325 = arith.addi %mul3A_72, %add3A_324 : vector<16xi32>
      %gather3A_326 = tpu.vector_load_idx %arg11[%add3A_66, %add3A_325] : memref<256x128xf32, #tpu.memory_space<vmem>>[vector<16xi32>, vector<16xi32>], vector<16xf32>,
      %add3A_327 = arith.constant 25 : i32
      %add3A_328 = vector.broadcast %add3A_327 : i32 to vector<16xi32>
      %add3A_329 = arith.addi %mul3A_80, %add3A_328 : vector<16xi32>
      %gather3A_330 = tpu.vector_load_idx %arg12[%add3A_66, %add3A_329] : memref<256x128xf32, #tpu.memory_space<vmem>>[vector<16xi32>, vector<16xi32>], vector<16xf32>,
      %mul3A_331 = arith.mulf %gather3A_326, %gather3A_330 : vector<16xf32>
      %add3A_332 = arith.addf %add3A_322, %mul3A_331 : vector<16xf32>
      %add3A_333 = arith.constant 26 : i32
      %add3A_334 = vector.broadcast %add3A_333 : i32 to vector<16xi32>
      %add3A_335 = arith.addi %mul3A_72, %add3A_334 : vector<16xi32>
      %gather3A_336 = tpu.vector_load_idx %arg11[%add3A_66, %add3A_335] : memref<256x128xf32, #tpu.memory_space<vmem>>[vector<16xi32>, vector<16xi32>], vector<16xf32>,
      %add3A_337 = arith.constant 26 : i32
      %add3A_338 = vector.broadcast %add3A_337 : i32 to vector<16xi32>
      %add3A_339 = arith.addi %mul3A_80, %add3A_338 : vector<16xi32>
      %gather3A_340 = tpu.vector_load_idx %arg12[%add3A_66, %add3A_339] : memref<256x128xf32, #tpu.memory_space<vmem>>[vector<16xi32>, vector<16xi32>], vector<16xf32>,
      %mul3A_341 = arith.mulf %gather3A_336, %gather3A_340 : vector<16xf32>
      %add3A_342 = arith.addf %add3A_332, %mul3A_341 : vector<16xf32>
      %add3A_343 = arith.constant 27 : i32
      %add3A_344 = vector.broadcast %add3A_343 : i32 to vector<16xi32>
      %add3A_345 = arith.addi %mul3A_72, %add3A_344 : vector<16xi32>
      %gather3A_346 = tpu.vector_load_idx %arg11[%add3A_66, %add3A_345] : memref<256x128xf32, #tpu.memory_space<vmem>>[vector<16xi32>, vector<16xi32>], vector<16xf32>,
      %add3A_347 = arith.constant 27 : i32
      %add3A_348 = vector.broadcast %add3A_347 : i32 to vector<16xi32>
      %add3A_349 = arith.addi %mul3A_80, %add3A_348 : vector<16xi32>
      %gather3A_350 = tpu.vector_load_idx %arg12[%add3A_66, %add3A_349] : memref<256x128xf32, #tpu.memory_space<vmem>>[vector<16xi32>, vector<16xi32>], vector<16xf32>,
      %mul3A_351 = arith.mulf %gather3A_346, %gather3A_350 : vector<16xf32>
      %add3A_352 = arith.addf %add3A_342, %mul3A_351 : vector<16xf32>
      %add3A_353 = arith.constant 28 : i32
      %add3A_354 = vector.broadcast %add3A_353 : i32 to vector<16xi32>
      %add3A_355 = arith.addi %mul3A_72, %add3A_354 : vector<16xi32>
      %gather3A_356 = tpu.vector_load_idx %arg11[%add3A_66, %add3A_355] : memref<256x128xf32, #tpu.memory_space<vmem>>[vector<16xi32>, vector<16xi32>], vector<16xf32>,
      %add3A_357 = arith.constant 28 : i32
      %add3A_358 = vector.broadcast %add3A_357 : i32 to vector<16xi32>
      %add3A_359 = arith.addi %mul3A_80, %add3A_358 : vector<16xi32>
      %gather3A_360 = tpu.vector_load_idx %arg12[%add3A_66, %add3A_359] : memref<256x128xf32, #tpu.memory_space<vmem>>[vector<16xi32>, vector<16xi32>], vector<16xf32>,
      %mul3A_361 = arith.mulf %gather3A_356, %gather3A_360 : vector<16xf32>
      %add3A_362 = arith.addf %add3A_352, %mul3A_361 : vector<16xf32>
      %add3A_363 = arith.constant 29 : i32
      %add3A_364 = vector.broadcast %add3A_363 : i32 to vector<16xi32>
      %add3A_365 = arith.addi %mul3A_72, %add3A_364 : vector<16xi32>
      %gather3A_366 = tpu.vector_load_idx %arg11[%add3A_66, %add3A_365] : memref<256x128xf32, #tpu.memory_space<vmem>>[vector<16xi32>, vector<16xi32>], vector<16xf32>,
      %add3A_367 = arith.constant 29 : i32
      %add3A_368 = vector.broadcast %add3A_367 : i32 to vector<16xi32>
      %add3A_369 = arith.addi %mul3A_80, %add3A_368 : vector<16xi32>
      %gather3A_370 = tpu.vector_load_idx %arg12[%add3A_66, %add3A_369] : memref<256x128xf32, #tpu.memory_space<vmem>>[vector<16xi32>, vector<16xi32>], vector<16xf32>,
      %mul3A_371 = arith.mulf %gather3A_366, %gather3A_370 : vector<16xf32>
      %add3A_372 = arith.addf %add3A_362, %mul3A_371 : vector<16xf32>
      %add3A_373 = arith.constant 30 : i32
      %add3A_374 = vector.broadcast %add3A_373 : i32 to vector<16xi32>
      %add3A_375 = arith.addi %mul3A_72, %add3A_374 : vector<16xi32>
      %gather3A_376 = tpu.vector_load_idx %arg11[%add3A_66, %add3A_375] : memref<256x128xf32, #tpu.memory_space<vmem>>[vector<16xi32>, vector<16xi32>], vector<16xf32>,
      %add3A_377 = arith.constant 30 : i32
      %add3A_378 = vector.broadcast %add3A_377 : i32 to vector<16xi32>
      %add3A_379 = arith.addi %mul3A_80, %add3A_378 : vector<16xi32>
      %gather3A_380 = tpu.vector_load_idx %arg12[%add3A_66, %add3A_379] : memref<256x128xf32, #tpu.memory_space<vmem>>[vector<16xi32>, vector<16xi32>], vector<16xf32>,
      %mul3A_381 = arith.mulf %gather3A_376, %gather3A_380 : vector<16xf32>
      %add3A_382 = arith.addf %add3A_372, %mul3A_381 : vector<16xf32>
      %add3A_383 = arith.constant 31 : i32
      %add3A_384 = vector.broadcast %add3A_383 : i32 to vector<16xi32>
      %add3A_385 = arith.addi %mul3A_72, %add3A_384 : vector<16xi32>
      %gather3A_386 = tpu.vector_load_idx %arg11[%add3A_66, %add3A_385] : memref<256x128xf32, #tpu.memory_space<vmem>>[vector<16xi32>, vector<16xi32>], vector<16xf32>,
      %add3A_387 = arith.constant 31 : i32
      %add3A_388 = vector.broadcast %add3A_387 : i32 to vector<16xi32>
      %add3A_389 = arith.addi %mul3A_80, %add3A_388 : vector<16xi32>
      %gather3A_390 = tpu.vector_load_idx %arg12[%add3A_66, %add3A_389] : memref<256x128xf32, #tpu.memory_space<vmem>>[vector<16xi32>, vector<16xi32>], vector<16xf32>,
      %mul3A_391 = arith.mulf %gather3A_386, %gather3A_390 : vector<16xf32>
      %add3A_392 = arith.addf %add3A_382, %mul3A_391 : vector<16xf32>
      %swap3A = arith.index_cast %add3A_62 : i32 to index
      %swap3A_393 = tpu.vector_load %arg13[%swap3A] {strides = array<i32>} : memref<512xf32, #tpu.memory_space<vmem>>, vector<16xf32>,
      tpu.vector_store %arg13[%swap3A], %add3A_392 {strides = array<i32>} : memref<512xf32, #tpu.memory_space<vmem>>, vector<16xf32>,
    }
    %scan3A_31 = arith.constant 16 : i32
    %dma_start3A_32 = arith.constant 256 : i32
    %dma_start3A_33 = tpu.memref_slice %arg9[%dma_start3A_32] : memref<512xi32, #tpu.memory_space<vmem>> -> memref<256xi32, #tpu.memory_space<vmem>>
    %dma_start3A_34 = arith.constant 0 : i32
    %dma_start3A_35 = arith.constant 0 : i32
    %dma_start3A_36 = tpu.memref_slice %arg4[%dma_start3A_34, %dma_start3A_35] : memref<250000x128xf32, #tpu.memory_space<hbm>> -> memref<250000x128xf32, #tpu.memory_space<hbm>>
    tpu.enqueue_indirect_dma source(%dma_start3A_36 : memref<250000x128xf32, #tpu.memory_space<hbm>>) target(%arg11 : memref<256x128xf32, #tpu.memory_space<vmem>>) offsets(%dma_start3A_33 : memref<256xi32, #tpu.memory_space<vmem>>) semaphore(%arg14 : memref<!tpu.dma_semaphore, #tpu.memory_space<semaphore_mem>>)
    %dma_start3A_37 = arith.constant 256 : i32
    %dma_start3A_38 = tpu.memref_slice %arg10[%dma_start3A_37] : memref<512xi32, #tpu.memory_space<vmem>> -> memref<256xi32, #tpu.memory_space<vmem>>
    %dma_start3A_39 = arith.constant 0 : i32
    %dma_start3A_40 = arith.constant 0 : i32
    %dma_start3A_41 = tpu.memref_slice %arg5[%dma_start3A_39, %dma_start3A_40] : memref<250000x128xf32, #tpu.memory_space<hbm>> -> memref<250000x128xf32, #tpu.memory_space<hbm>>
    tpu.enqueue_indirect_dma source(%dma_start3A_41 : memref<250000x128xf32, #tpu.memory_space<hbm>>) target(%arg12 : memref<256x128xf32, #tpu.memory_space<vmem>>) offsets(%dma_start3A_38 : memref<256xi32, #tpu.memory_space<vmem>>) semaphore(%arg15 : memref<!tpu.dma_semaphore, #tpu.memory_space<semaphore_mem>>)
    %dma_wait3A_42 = arith.constant 256 : i32
    %dma_wait3A_43 = tpu.memref_slice %arg9[%dma_wait3A_42] : memref<512xi32, #tpu.memory_space<vmem>> -> memref<256xi32, #tpu.memory_space<vmem>>
    %dma_wait3A_44 = arith.constant 0 : i32
    %dma_wait3A_45 = arith.constant 0 : i32
    %dma_wait3A_46 = tpu.memref_slice %arg4[%dma_wait3A_44, %dma_wait3A_45] : memref<250000x128xf32, #tpu.memory_space<hbm>> -> memref<250000x128xf32, #tpu.memory_space<hbm>>
    tpu.wait_indirect_dma semaphore(%arg14 : memref<!tpu.dma_semaphore, #tpu.memory_space<semaphore_mem>>) src(%dma_wait3A_46 : memref<250000x128xf32, #tpu.memory_space<hbm>>) dst(%arg11 : memref<256x128xf32, #tpu.memory_space<vmem>>)
    %dma_wait3A_47 = arith.constant 256 : i32
    %dma_wait3A_48 = tpu.memref_slice %arg10[%dma_wait3A_47] : memref<512xi32, #tpu.memory_space<vmem>> -> memref<256xi32, #tpu.memory_space<vmem>>
    %dma_wait3A_49 = arith.constant 0 : i32
    %dma_wait3A_50 = arith.constant 0 : i32
    %dma_wait3A_51 = tpu.memref_slice %arg5[%dma_wait3A_49, %dma_wait3A_50] : memref<250000x128xf32, #tpu.memory_space<hbm>> -> memref<250000x128xf32, #tpu.memory_space<hbm>>
    tpu.wait_indirect_dma semaphore(%arg15 : memref<!tpu.dma_semaphore, #tpu.memory_space<semaphore_mem>>) src(%dma_wait3A_51 : memref<250000x128xf32, #tpu.memory_space<hbm>>) dst(%arg12 : memref<256x128xf32, #tpu.memory_space<vmem>>)
    %scan3A_52 = arith.constant 0 : i32
    %scan3A_53 = arith.constant 0 : i32
    %scan3A_54 = arith.constant 16 : i32
    %scan3A_55 = arith.addi %scan3A_53, %scan3A_54 : i32
    %scan3A_56 = arith.constant 1 : i32
    scf.for %scan3A_58 = %scan3A_53 to %scan3A_55 step %scan3A_56  : i32 {
      %mul3A_59 = arith.constant 16 : i32
      %mul3A_60 = arith.muli %scan3A_58, %mul3A_59 : i32
      %add3A_61 = arith.constant 256 : i32
      %add3A_62 = arith.addi %add3A_61, %mul3A_60 : i32
      %mul3A_63 = arith.constant 16 : i32
      %mul3A_64 = arith.muli %scan3A_58, %mul3A_63 : i32
      %add3A_65 = vector.broadcast %mul3A_64 : i32 to vector<16xi32>
      %add3A_66 = arith.addi %add3A_65, %iota3A : vector<16xi32>
      %get3A = arith.index_cast %add3A_62 : i32 to index
      %get3A_67 = tpu.vector_load %arg7[%get3A] {strides = array<i32>} : memref<512xi32, #tpu.memory_space<vmem>>, vector<16xi32>,
      %and3A = arith.constant 3 : i32
      %and3A_68 = vector.broadcast %and3A : i32 to vector<16xi32>
      %and3A_69 = arith.andi %get3A_67, %and3A_68 : vector<16xi32>
      %mul3A_70 = arith.constant 32 : i32
      %mul3A_71 = vector.broadcast %mul3A_70 : i32 to vector<16xi32>
      %mul3A_72 = arith.muli %and3A_69, %mul3A_71 : vector<16xi32>
      %get3A_73 = arith.index_cast %add3A_62 : i32 to index
      %get3A_74 = tpu.vector_load %arg8[%get3A_73] {strides = array<i32>} : memref<512xi32, #tpu.memory_space<vmem>>, vector<16xi32>,
      %and3A_75 = arith.constant 3 : i32
      %and3A_76 = vector.broadcast %and3A_75 : i32 to vector<16xi32>
      %and3A_77 = arith.andi %get3A_74, %and3A_76 : vector<16xi32>
      %mul3A_78 = arith.constant 32 : i32
      %mul3A_79 = vector.broadcast %mul3A_78 : i32 to vector<16xi32>
      %mul3A_80 = arith.muli %and3A_77, %mul3A_79 : vector<16xi32>
      %gather3A = tpu.vector_load_idx %arg11[%add3A_66, %mul3A_72] : memref<256x128xf32, #tpu.memory_space<vmem>>[vector<16xi32>, vector<16xi32>], vector<16xf32>,
      %gather3A_81 = tpu.vector_load_idx %arg12[%add3A_66, %mul3A_80] : memref<256x128xf32, #tpu.memory_space<vmem>>[vector<16xi32>, vector<16xi32>], vector<16xf32>,
      %mul3A_82 = arith.mulf %gather3A, %gather3A_81 : vector<16xf32>
      %add3A_83 = arith.constant 1 : i32
      %add3A_84 = vector.broadcast %add3A_83 : i32 to vector<16xi32>
      %add3A_85 = arith.addi %mul3A_72, %add3A_84 : vector<16xi32>
      %gather3A_86 = tpu.vector_load_idx %arg11[%add3A_66, %add3A_85] : memref<256x128xf32, #tpu.memory_space<vmem>>[vector<16xi32>, vector<16xi32>], vector<16xf32>,
      %add3A_87 = arith.constant 1 : i32
      %add3A_88 = vector.broadcast %add3A_87 : i32 to vector<16xi32>
      %add3A_89 = arith.addi %mul3A_80, %add3A_88 : vector<16xi32>
      %gather3A_90 = tpu.vector_load_idx %arg12[%add3A_66, %add3A_89] : memref<256x128xf32, #tpu.memory_space<vmem>>[vector<16xi32>, vector<16xi32>], vector<16xf32>,
      %mul3A_91 = arith.mulf %gather3A_86, %gather3A_90 : vector<16xf32>
      %add3A_92 = arith.addf %mul3A_82, %mul3A_91 : vector<16xf32>
      %add3A_93 = arith.constant 2 : i32
      %add3A_94 = vector.broadcast %add3A_93 : i32 to vector<16xi32>
      %add3A_95 = arith.addi %mul3A_72, %add3A_94 : vector<16xi32>
      %gather3A_96 = tpu.vector_load_idx %arg11[%add3A_66, %add3A_95] : memref<256x128xf32, #tpu.memory_space<vmem>>[vector<16xi32>, vector<16xi32>], vector<16xf32>,
      %add3A_97 = arith.constant 2 : i32
      %add3A_98 = vector.broadcast %add3A_97 : i32 to vector<16xi32>
      %add3A_99 = arith.addi %mul3A_80, %add3A_98 : vector<16xi32>
      %gather3A_100 = tpu.vector_load_idx %arg12[%add3A_66, %add3A_99] : memref<256x128xf32, #tpu.memory_space<vmem>>[vector<16xi32>, vector<16xi32>], vector<16xf32>,
      %mul3A_101 = arith.mulf %gather3A_96, %gather3A_100 : vector<16xf32>
      %add3A_102 = arith.addf %add3A_92, %mul3A_101 : vector<16xf32>
      %add3A_103 = arith.constant 3 : i32
      %add3A_104 = vector.broadcast %add3A_103 : i32 to vector<16xi32>
      %add3A_105 = arith.addi %mul3A_72, %add3A_104 : vector<16xi32>
      %gather3A_106 = tpu.vector_load_idx %arg11[%add3A_66, %add3A_105] : memref<256x128xf32, #tpu.memory_space<vmem>>[vector<16xi32>, vector<16xi32>], vector<16xf32>,
      %add3A_107 = arith.constant 3 : i32
      %add3A_108 = vector.broadcast %add3A_107 : i32 to vector<16xi32>
      %add3A_109 = arith.addi %mul3A_80, %add3A_108 : vector<16xi32>
      %gather3A_110 = tpu.vector_load_idx %arg12[%add3A_66, %add3A_109] : memref<256x128xf32, #tpu.memory_space<vmem>>[vector<16xi32>, vector<16xi32>], vector<16xf32>,
      %mul3A_111 = arith.mulf %gather3A_106, %gather3A_110 : vector<16xf32>
      %add3A_112 = arith.addf %add3A_102, %mul3A_111 : vector<16xf32>
      %add3A_113 = arith.constant 4 : i32
      %add3A_114 = vector.broadcast %add3A_113 : i32 to vector<16xi32>
      %add3A_115 = arith.addi %mul3A_72, %add3A_114 : vector<16xi32>
      %gather3A_116 = tpu.vector_load_idx %arg11[%add3A_66, %add3A_115] : memref<256x128xf32, #tpu.memory_space<vmem>>[vector<16xi32>, vector<16xi32>], vector<16xf32>,
      %add3A_117 = arith.constant 4 : i32
      %add3A_118 = vector.broadcast %add3A_117 : i32 to vector<16xi32>
      %add3A_119 = arith.addi %mul3A_80, %add3A_118 : vector<16xi32>
      %gather3A_120 = tpu.vector_load_idx %arg12[%add3A_66, %add3A_119] : memref<256x128xf32, #tpu.memory_space<vmem>>[vector<16xi32>, vector<16xi32>], vector<16xf32>,
      %mul3A_121 = arith.mulf %gather3A_116, %gather3A_120 : vector<16xf32>
      %add3A_122 = arith.addf %add3A_112, %mul3A_121 : vector<16xf32>
      %add3A_123 = arith.constant 5 : i32
      %add3A_124 = vector.broadcast %add3A_123 : i32 to vector<16xi32>
      %add3A_125 = arith.addi %mul3A_72, %add3A_124 : vector<16xi32>
      %gather3A_126 = tpu.vector_load_idx %arg11[%add3A_66, %add3A_125] : memref<256x128xf32, #tpu.memory_space<vmem>>[vector<16xi32>, vector<16xi32>], vector<16xf32>,
      %add3A_127 = arith.constant 5 : i32
      %add3A_128 = vector.broadcast %add3A_127 : i32 to vector<16xi32>
      %add3A_129 = arith.addi %mul3A_80, %add3A_128 : vector<16xi32>
      %gather3A_130 = tpu.vector_load_idx %arg12[%add3A_66, %add3A_129] : memref<256x128xf32, #tpu.memory_space<vmem>>[vector<16xi32>, vector<16xi32>], vector<16xf32>,
      %mul3A_131 = arith.mulf %gather3A_126, %gather3A_130 : vector<16xf32>
      %add3A_132 = arith.addf %add3A_122, %mul3A_131 : vector<16xf32>
      %add3A_133 = arith.constant 6 : i32
      %add3A_134 = vector.broadcast %add3A_133 : i32 to vector<16xi32>
      %add3A_135 = arith.addi %mul3A_72, %add3A_134 : vector<16xi32>
      %gather3A_136 = tpu.vector_load_idx %arg11[%add3A_66, %add3A_135] : memref<256x128xf32, #tpu.memory_space<vmem>>[vector<16xi32>, vector<16xi32>], vector<16xf32>,
      %add3A_137 = arith.constant 6 : i32
      %add3A_138 = vector.broadcast %add3A_137 : i32 to vector<16xi32>
      %add3A_139 = arith.addi %mul3A_80, %add3A_138 : vector<16xi32>
      %gather3A_140 = tpu.vector_load_idx %arg12[%add3A_66, %add3A_139] : memref<256x128xf32, #tpu.memory_space<vmem>>[vector<16xi32>, vector<16xi32>], vector<16xf32>,
      %mul3A_141 = arith.mulf %gather3A_136, %gather3A_140 : vector<16xf32>
      %add3A_142 = arith.addf %add3A_132, %mul3A_141 : vector<16xf32>
      %add3A_143 = arith.constant 7 : i32
      %add3A_144 = vector.broadcast %add3A_143 : i32 to vector<16xi32>
      %add3A_145 = arith.addi %mul3A_72, %add3A_144 : vector<16xi32>
      %gather3A_146 = tpu.vector_load_idx %arg11[%add3A_66, %add3A_145] : memref<256x128xf32, #tpu.memory_space<vmem>>[vector<16xi32>, vector<16xi32>], vector<16xf32>,
      %add3A_147 = arith.constant 7 : i32
      %add3A_148 = vector.broadcast %add3A_147 : i32 to vector<16xi32>
      %add3A_149 = arith.addi %mul3A_80, %add3A_148 : vector<16xi32>
      %gather3A_150 = tpu.vector_load_idx %arg12[%add3A_66, %add3A_149] : memref<256x128xf32, #tpu.memory_space<vmem>>[vector<16xi32>, vector<16xi32>], vector<16xf32>,
      %mul3A_151 = arith.mulf %gather3A_146, %gather3A_150 : vector<16xf32>
      %add3A_152 = arith.addf %add3A_142, %mul3A_151 : vector<16xf32>
      %add3A_153 = arith.constant 8 : i32
      %add3A_154 = vector.broadcast %add3A_153 : i32 to vector<16xi32>
      %add3A_155 = arith.addi %mul3A_72, %add3A_154 : vector<16xi32>
      %gather3A_156 = tpu.vector_load_idx %arg11[%add3A_66, %add3A_155] : memref<256x128xf32, #tpu.memory_space<vmem>>[vector<16xi32>, vector<16xi32>], vector<16xf32>,
      %add3A_157 = arith.constant 8 : i32
      %add3A_158 = vector.broadcast %add3A_157 : i32 to vector<16xi32>
      %add3A_159 = arith.addi %mul3A_80, %add3A_158 : vector<16xi32>
      %gather3A_160 = tpu.vector_load_idx %arg12[%add3A_66, %add3A_159] : memref<256x128xf32, #tpu.memory_space<vmem>>[vector<16xi32>, vector<16xi32>], vector<16xf32>,
      %mul3A_161 = arith.mulf %gather3A_156, %gather3A_160 : vector<16xf32>
      %add3A_162 = arith.addf %add3A_152, %mul3A_161 : vector<16xf32>
      %add3A_163 = arith.constant 9 : i32
      %add3A_164 = vector.broadcast %add3A_163 : i32 to vector<16xi32>
      %add3A_165 = arith.addi %mul3A_72, %add3A_164 : vector<16xi32>
      %gather3A_166 = tpu.vector_load_idx %arg11[%add3A_66, %add3A_165] : memref<256x128xf32, #tpu.memory_space<vmem>>[vector<16xi32>, vector<16xi32>], vector<16xf32>,
      %add3A_167 = arith.constant 9 : i32
      %add3A_168 = vector.broadcast %add3A_167 : i32 to vector<16xi32>
      %add3A_169 = arith.addi %mul3A_80, %add3A_168 : vector<16xi32>
      %gather3A_170 = tpu.vector_load_idx %arg12[%add3A_66, %add3A_169] : memref<256x128xf32, #tpu.memory_space<vmem>>[vector<16xi32>, vector<16xi32>], vector<16xf32>,
      %mul3A_171 = arith.mulf %gather3A_166, %gather3A_170 : vector<16xf32>
      %add3A_172 = arith.addf %add3A_162, %mul3A_171 : vector<16xf32>
      %add3A_173 = arith.constant 10 : i32
      %add3A_174 = vector.broadcast %add3A_173 : i32 to vector<16xi32>
      %add3A_175 = arith.addi %mul3A_72, %add3A_174 : vector<16xi32>
      %gather3A_176 = tpu.vector_load_idx %arg11[%add3A_66, %add3A_175] : memref<256x128xf32, #tpu.memory_space<vmem>>[vector<16xi32>, vector<16xi32>], vector<16xf32>,
      %add3A_177 = arith.constant 10 : i32
      %add3A_178 = vector.broadcast %add3A_177 : i32 to vector<16xi32>
      %add3A_179 = arith.addi %mul3A_80, %add3A_178 : vector<16xi32>
      %gather3A_180 = tpu.vector_load_idx %arg12[%add3A_66, %add3A_179] : memref<256x128xf32, #tpu.memory_space<vmem>>[vector<16xi32>, vector<16xi32>], vector<16xf32>,
      %mul3A_181 = arith.mulf %gather3A_176, %gather3A_180 : vector<16xf32>
      %add3A_182 = arith.addf %add3A_172, %mul3A_181 : vector<16xf32>
      %add3A_183 = arith.constant 11 : i32
      %add3A_184 = vector.broadcast %add3A_183 : i32 to vector<16xi32>
      %add3A_185 = arith.addi %mul3A_72, %add3A_184 : vector<16xi32>
      %gather3A_186 = tpu.vector_load_idx %arg11[%add3A_66, %add3A_185] : memref<256x128xf32, #tpu.memory_space<vmem>>[vector<16xi32>, vector<16xi32>], vector<16xf32>,
      %add3A_187 = arith.constant 11 : i32
      %add3A_188 = vector.broadcast %add3A_187 : i32 to vector<16xi32>
      %add3A_189 = arith.addi %mul3A_80, %add3A_188 : vector<16xi32>
      %gather3A_190 = tpu.vector_load_idx %arg12[%add3A_66, %add3A_189] : memref<256x128xf32, #tpu.memory_space<vmem>>[vector<16xi32>, vector<16xi32>], vector<16xf32>,
      %mul3A_191 = arith.mulf %gather3A_186, %gather3A_190 : vector<16xf32>
      %add3A_192 = arith.addf %add3A_182, %mul3A_191 : vector<16xf32>
      %add3A_193 = arith.constant 12 : i32
      %add3A_194 = vector.broadcast %add3A_193 : i32 to vector<16xi32>
      %add3A_195 = arith.addi %mul3A_72, %add3A_194 : vector<16xi32>
      %gather3A_196 = tpu.vector_load_idx %arg11[%add3A_66, %add3A_195] : memref<256x128xf32, #tpu.memory_space<vmem>>[vector<16xi32>, vector<16xi32>], vector<16xf32>,
      %add3A_197 = arith.constant 12 : i32
      %add3A_198 = vector.broadcast %add3A_197 : i32 to vector<16xi32>
      %add3A_199 = arith.addi %mul3A_80, %add3A_198 : vector<16xi32>
      %gather3A_200 = tpu.vector_load_idx %arg12[%add3A_66, %add3A_199] : memref<256x128xf32, #tpu.memory_space<vmem>>[vector<16xi32>, vector<16xi32>], vector<16xf32>,
      %mul3A_201 = arith.mulf %gather3A_196, %gather3A_200 : vector<16xf32>
      %add3A_202 = arith.addf %add3A_192, %mul3A_201 : vector<16xf32>
      %add3A_203 = arith.constant 13 : i32
      %add3A_204 = vector.broadcast %add3A_203 : i32 to vector<16xi32>
      %add3A_205 = arith.addi %mul3A_72, %add3A_204 : vector<16xi32>
      %gather3A_206 = tpu.vector_load_idx %arg11[%add3A_66, %add3A_205] : memref<256x128xf32, #tpu.memory_space<vmem>>[vector<16xi32>, vector<16xi32>], vector<16xf32>,
      %add3A_207 = arith.constant 13 : i32
      %add3A_208 = vector.broadcast %add3A_207 : i32 to vector<16xi32>
      %add3A_209 = arith.addi %mul3A_80, %add3A_208 : vector<16xi32>
      %gather3A_210 = tpu.vector_load_idx %arg12[%add3A_66, %add3A_209] : memref<256x128xf32, #tpu.memory_space<vmem>>[vector<16xi32>, vector<16xi32>], vector<16xf32>,
      %mul3A_211 = arith.mulf %gather3A_206, %gather3A_210 : vector<16xf32>
      %add3A_212 = arith.addf %add3A_202, %mul3A_211 : vector<16xf32>
      %add3A_213 = arith.constant 14 : i32
      %add3A_214 = vector.broadcast %add3A_213 : i32 to vector<16xi32>
      %add3A_215 = arith.addi %mul3A_72, %add3A_214 : vector<16xi32>
      %gather3A_216 = tpu.vector_load_idx %arg11[%add3A_66, %add3A_215] : memref<256x128xf32, #tpu.memory_space<vmem>>[vector<16xi32>, vector<16xi32>], vector<16xf32>,
      %add3A_217 = arith.constant 14 : i32
      %add3A_218 = vector.broadcast %add3A_217 : i32 to vector<16xi32>
      %add3A_219 = arith.addi %mul3A_80, %add3A_218 : vector<16xi32>
      %gather3A_220 = tpu.vector_load_idx %arg12[%add3A_66, %add3A_219] : memref<256x128xf32, #tpu.memory_space<vmem>>[vector<16xi32>, vector<16xi32>], vector<16xf32>,
      %mul3A_221 = arith.mulf %gather3A_216, %gather3A_220 : vector<16xf32>
      %add3A_222 = arith.addf %add3A_212, %mul3A_221 : vector<16xf32>
      %add3A_223 = arith.constant 15 : i32
      %add3A_224 = vector.broadcast %add3A_223 : i32 to vector<16xi32>
      %add3A_225 = arith.addi %mul3A_72, %add3A_224 : vector<16xi32>
      %gather3A_226 = tpu.vector_load_idx %arg11[%add3A_66, %add3A_225] : memref<256x128xf32, #tpu.memory_space<vmem>>[vector<16xi32>, vector<16xi32>], vector<16xf32>,
      %add3A_227 = arith.constant 15 : i32
      %add3A_228 = vector.broadcast %add3A_227 : i32 to vector<16xi32>
      %add3A_229 = arith.addi %mul3A_80, %add3A_228 : vector<16xi32>
      %gather3A_230 = tpu.vector_load_idx %arg12[%add3A_66, %add3A_229] : memref<256x128xf32, #tpu.memory_space<vmem>>[vector<16xi32>, vector<16xi32>], vector<16xf32>,
      %mul3A_231 = arith.mulf %gather3A_226, %gather3A_230 : vector<16xf32>
      %add3A_232 = arith.addf %add3A_222, %mul3A_231 : vector<16xf32>
      %add3A_233 = arith.constant 16 : i32
      %add3A_234 = vector.broadcast %add3A_233 : i32 to vector<16xi32>
      %add3A_235 = arith.addi %mul3A_72, %add3A_234 : vector<16xi32>
      %gather3A_236 = tpu.vector_load_idx %arg11[%add3A_66, %add3A_235] : memref<256x128xf32, #tpu.memory_space<vmem>>[vector<16xi32>, vector<16xi32>], vector<16xf32>,
      %add3A_237 = arith.constant 16 : i32
      %add3A_238 = vector.broadcast %add3A_237 : i32 to vector<16xi32>
      %add3A_239 = arith.addi %mul3A_80, %add3A_238 : vector<16xi32>
      %gather3A_240 = tpu.vector_load_idx %arg12[%add3A_66, %add3A_239] : memref<256x128xf32, #tpu.memory_space<vmem>>[vector<16xi32>, vector<16xi32>], vector<16xf32>,
      %mul3A_241 = arith.mulf %gather3A_236, %gather3A_240 : vector<16xf32>
      %add3A_242 = arith.addf %add3A_232, %mul3A_241 : vector<16xf32>
      %add3A_243 = arith.constant 17 : i32
      %add3A_244 = vector.broadcast %add3A_243 : i32 to vector<16xi32>
      %add3A_245 = arith.addi %mul3A_72, %add3A_244 : vector<16xi32>
      %gather3A_246 = tpu.vector_load_idx %arg11[%add3A_66, %add3A_245] : memref<256x128xf32, #tpu.memory_space<vmem>>[vector<16xi32>, vector<16xi32>], vector<16xf32>,
      %add3A_247 = arith.constant 17 : i32
      %add3A_248 = vector.broadcast %add3A_247 : i32 to vector<16xi32>
      %add3A_249 = arith.addi %mul3A_80, %add3A_248 : vector<16xi32>
      %gather3A_250 = tpu.vector_load_idx %arg12[%add3A_66, %add3A_249] : memref<256x128xf32, #tpu.memory_space<vmem>>[vector<16xi32>, vector<16xi32>], vector<16xf32>,
      %mul3A_251 = arith.mulf %gather3A_246, %gather3A_250 : vector<16xf32>
      %add3A_252 = arith.addf %add3A_242, %mul3A_251 : vector<16xf32>
      %add3A_253 = arith.constant 18 : i32
      %add3A_254 = vector.broadcast %add3A_253 : i32 to vector<16xi32>
      %add3A_255 = arith.addi %mul3A_72, %add3A_254 : vector<16xi32>
      %gather3A_256 = tpu.vector_load_idx %arg11[%add3A_66, %add3A_255] : memref<256x128xf32, #tpu.memory_space<vmem>>[vector<16xi32>, vector<16xi32>], vector<16xf32>,
      %add3A_257 = arith.constant 18 : i32
      %add3A_258 = vector.broadcast %add3A_257 : i32 to vector<16xi32>
      %add3A_259 = arith.addi %mul3A_80, %add3A_258 : vector<16xi32>
      %gather3A_260 = tpu.vector_load_idx %arg12[%add3A_66, %add3A_259] : memref<256x128xf32, #tpu.memory_space<vmem>>[vector<16xi32>, vector<16xi32>], vector<16xf32>,
      %mul3A_261 = arith.mulf %gather3A_256, %gather3A_260 : vector<16xf32>
      %add3A_262 = arith.addf %add3A_252, %mul3A_261 : vector<16xf32>
      %add3A_263 = arith.constant 19 : i32
      %add3A_264 = vector.broadcast %add3A_263 : i32 to vector<16xi32>
      %add3A_265 = arith.addi %mul3A_72, %add3A_264 : vector<16xi32>
      %gather3A_266 = tpu.vector_load_idx %arg11[%add3A_66, %add3A_265] : memref<256x128xf32, #tpu.memory_space<vmem>>[vector<16xi32>, vector<16xi32>], vector<16xf32>,
      %add3A_267 = arith.constant 19 : i32
      %add3A_268 = vector.broadcast %add3A_267 : i32 to vector<16xi32>
      %add3A_269 = arith.addi %mul3A_80, %add3A_268 : vector<16xi32>
      %gather3A_270 = tpu.vector_load_idx %arg12[%add3A_66, %add3A_269] : memref<256x128xf32, #tpu.memory_space<vmem>>[vector<16xi32>, vector<16xi32>], vector<16xf32>,
      %mul3A_271 = arith.mulf %gather3A_266, %gather3A_270 : vector<16xf32>
      %add3A_272 = arith.addf %add3A_262, %mul3A_271 : vector<16xf32>
      %add3A_273 = arith.constant 20 : i32
      %add3A_274 = vector.broadcast %add3A_273 : i32 to vector<16xi32>
      %add3A_275 = arith.addi %mul3A_72, %add3A_274 : vector<16xi32>
      %gather3A_276 = tpu.vector_load_idx %arg11[%add3A_66, %add3A_275] : memref<256x128xf32, #tpu.memory_space<vmem>>[vector<16xi32>, vector<16xi32>], vector<16xf32>,
      %add3A_277 = arith.constant 20 : i32
      %add3A_278 = vector.broadcast %add3A_277 : i32 to vector<16xi32>
      %add3A_279 = arith.addi %mul3A_80, %add3A_278 : vector<16xi32>
      %gather3A_280 = tpu.vector_load_idx %arg12[%add3A_66, %add3A_279] : memref<256x128xf32, #tpu.memory_space<vmem>>[vector<16xi32>, vector<16xi32>], vector<16xf32>,
      %mul3A_281 = arith.mulf %gather3A_276, %gather3A_280 : vector<16xf32>
      %add3A_282 = arith.addf %add3A_272, %mul3A_281 : vector<16xf32>
      %add3A_283 = arith.constant 21 : i32
      %add3A_284 = vector.broadcast %add3A_283 : i32 to vector<16xi32>
      %add3A_285 = arith.addi %mul3A_72, %add3A_284 : vector<16xi32>
      %gather3A_286 = tpu.vector_load_idx %arg11[%add3A_66, %add3A_285] : memref<256x128xf32, #tpu.memory_space<vmem>>[vector<16xi32>, vector<16xi32>], vector<16xf32>,
      %add3A_287 = arith.constant 21 : i32
      %add3A_288 = vector.broadcast %add3A_287 : i32 to vector<16xi32>
      %add3A_289 = arith.addi %mul3A_80, %add3A_288 : vector<16xi32>
      %gather3A_290 = tpu.vector_load_idx %arg12[%add3A_66, %add3A_289] : memref<256x128xf32, #tpu.memory_space<vmem>>[vector<16xi32>, vector<16xi32>], vector<16xf32>,
      %mul3A_291 = arith.mulf %gather3A_286, %gather3A_290 : vector<16xf32>
      %add3A_292 = arith.addf %add3A_282, %mul3A_291 : vector<16xf32>
      %add3A_293 = arith.constant 22 : i32
      %add3A_294 = vector.broadcast %add3A_293 : i32 to vector<16xi32>
      %add3A_295 = arith.addi %mul3A_72, %add3A_294 : vector<16xi32>
      %gather3A_296 = tpu.vector_load_idx %arg11[%add3A_66, %add3A_295] : memref<256x128xf32, #tpu.memory_space<vmem>>[vector<16xi32>, vector<16xi32>], vector<16xf32>,
      %add3A_297 = arith.constant 22 : i32
      %add3A_298 = vector.broadcast %add3A_297 : i32 to vector<16xi32>
      %add3A_299 = arith.addi %mul3A_80, %add3A_298 : vector<16xi32>
      %gather3A_300 = tpu.vector_load_idx %arg12[%add3A_66, %add3A_299] : memref<256x128xf32, #tpu.memory_space<vmem>>[vector<16xi32>, vector<16xi32>], vector<16xf32>,
      %mul3A_301 = arith.mulf %gather3A_296, %gather3A_300 : vector<16xf32>
      %add3A_302 = arith.addf %add3A_292, %mul3A_301 : vector<16xf32>
      %add3A_303 = arith.constant 23 : i32
      %add3A_304 = vector.broadcast %add3A_303 : i32 to vector<16xi32>
      %add3A_305 = arith.addi %mul3A_72, %add3A_304 : vector<16xi32>
      %gather3A_306 = tpu.vector_load_idx %arg11[%add3A_66, %add3A_305] : memref<256x128xf32, #tpu.memory_space<vmem>>[vector<16xi32>, vector<16xi32>], vector<16xf32>,
      %add3A_307 = arith.constant 23 : i32
      %add3A_308 = vector.broadcast %add3A_307 : i32 to vector<16xi32>
      %add3A_309 = arith.addi %mul3A_80, %add3A_308 : vector<16xi32>
      %gather3A_310 = tpu.vector_load_idx %arg12[%add3A_66, %add3A_309] : memref<256x128xf32, #tpu.memory_space<vmem>>[vector<16xi32>, vector<16xi32>], vector<16xf32>,
      %mul3A_311 = arith.mulf %gather3A_306, %gather3A_310 : vector<16xf32>
      %add3A_312 = arith.addf %add3A_302, %mul3A_311 : vector<16xf32>
      %add3A_313 = arith.constant 24 : i32
      %add3A_314 = vector.broadcast %add3A_313 : i32 to vector<16xi32>
      %add3A_315 = arith.addi %mul3A_72, %add3A_314 : vector<16xi32>
      %gather3A_316 = tpu.vector_load_idx %arg11[%add3A_66, %add3A_315] : memref<256x128xf32, #tpu.memory_space<vmem>>[vector<16xi32>, vector<16xi32>], vector<16xf32>,
      %add3A_317 = arith.constant 24 : i32
      %add3A_318 = vector.broadcast %add3A_317 : i32 to vector<16xi32>
      %add3A_319 = arith.addi %mul3A_80, %add3A_318 : vector<16xi32>
      %gather3A_320 = tpu.vector_load_idx %arg12[%add3A_66, %add3A_319] : memref<256x128xf32, #tpu.memory_space<vmem>>[vector<16xi32>, vector<16xi32>], vector<16xf32>,
      %mul3A_321 = arith.mulf %gather3A_316, %gather3A_320 : vector<16xf32>
      %add3A_322 = arith.addf %add3A_312, %mul3A_321 : vector<16xf32>
      %add3A_323 = arith.constant 25 : i32
      %add3A_324 = vector.broadcast %add3A_323 : i32 to vector<16xi32>
      %add3A_325 = arith.addi %mul3A_72, %add3A_324 : vector<16xi32>
      %gather3A_326 = tpu.vector_load_idx %arg11[%add3A_66, %add3A_325] : memref<256x128xf32, #tpu.memory_space<vmem>>[vector<16xi32>, vector<16xi32>], vector<16xf32>,
      %add3A_327 = arith.constant 25 : i32
      %add3A_328 = vector.broadcast %add3A_327 : i32 to vector<16xi32>
      %add3A_329 = arith.addi %mul3A_80, %add3A_328 : vector<16xi32>
      %gather3A_330 = tpu.vector_load_idx %arg12[%add3A_66, %add3A_329] : memref<256x128xf32, #tpu.memory_space<vmem>>[vector<16xi32>, vector<16xi32>], vector<16xf32>,
      %mul3A_331 = arith.mulf %gather3A_326, %gather3A_330 : vector<16xf32>
      %add3A_332 = arith.addf %add3A_322, %mul3A_331 : vector<16xf32>
      %add3A_333 = arith.constant 26 : i32
      %add3A_334 = vector.broadcast %add3A_333 : i32 to vector<16xi32>
      %add3A_335 = arith.addi %mul3A_72, %add3A_334 : vector<16xi32>
      %gather3A_336 = tpu.vector_load_idx %arg11[%add3A_66, %add3A_335] : memref<256x128xf32, #tpu.memory_space<vmem>>[vector<16xi32>, vector<16xi32>], vector<16xf32>,
      %add3A_337 = arith.constant 26 : i32
      %add3A_338 = vector.broadcast %add3A_337 : i32 to vector<16xi32>
      %add3A_339 = arith.addi %mul3A_80, %add3A_338 : vector<16xi32>
      %gather3A_340 = tpu.vector_load_idx %arg12[%add3A_66, %add3A_339] : memref<256x128xf32, #tpu.memory_space<vmem>>[vector<16xi32>, vector<16xi32>], vector<16xf32>,
      %mul3A_341 = arith.mulf %gather3A_336, %gather3A_340 : vector<16xf32>
      %add3A_342 = arith.addf %add3A_332, %mul3A_341 : vector<16xf32>
      %add3A_343 = arith.constant 27 : i32
      %add3A_344 = vector.broadcast %add3A_343 : i32 to vector<16xi32>
      %add3A_345 = arith.addi %mul3A_72, %add3A_344 : vector<16xi32>
      %gather3A_346 = tpu.vector_load_idx %arg11[%add3A_66, %add3A_345] : memref<256x128xf32, #tpu.memory_space<vmem>>[vector<16xi32>, vector<16xi32>], vector<16xf32>,
      %add3A_347 = arith.constant 27 : i32
      %add3A_348 = vector.broadcast %add3A_347 : i32 to vector<16xi32>
      %add3A_349 = arith.addi %mul3A_80, %add3A_348 : vector<16xi32>
      %gather3A_350 = tpu.vector_load_idx %arg12[%add3A_66, %add3A_349] : memref<256x128xf32, #tpu.memory_space<vmem>>[vector<16xi32>, vector<16xi32>], vector<16xf32>,
      %mul3A_351 = arith.mulf %gather3A_346, %gather3A_350 : vector<16xf32>
      %add3A_352 = arith.addf %add3A_342, %mul3A_351 : vector<16xf32>
      %add3A_353 = arith.constant 28 : i32
      %add3A_354 = vector.broadcast %add3A_353 : i32 to vector<16xi32>
      %add3A_355 = arith.addi %mul3A_72, %add3A_354 : vector<16xi32>
      %gather3A_356 = tpu.vector_load_idx %arg11[%add3A_66, %add3A_355] : memref<256x128xf32, #tpu.memory_space<vmem>>[vector<16xi32>, vector<16xi32>], vector<16xf32>,
      %add3A_357 = arith.constant 28 : i32
      %add3A_358 = vector.broadcast %add3A_357 : i32 to vector<16xi32>
      %add3A_359 = arith.addi %mul3A_80, %add3A_358 : vector<16xi32>
      %gather3A_360 = tpu.vector_load_idx %arg12[%add3A_66, %add3A_359] : memref<256x128xf32, #tpu.memory_space<vmem>>[vector<16xi32>, vector<16xi32>], vector<16xf32>,
      %mul3A_361 = arith.mulf %gather3A_356, %gather3A_360 : vector<16xf32>
      %add3A_362 = arith.addf %add3A_352, %mul3A_361 : vector<16xf32>
      %add3A_363 = arith.constant 29 : i32
      %add3A_364 = vector.broadcast %add3A_363 : i32 to vector<16xi32>
      %add3A_365 = arith.addi %mul3A_72, %add3A_364 : vector<16xi32>
      %gather3A_366 = tpu.vector_load_idx %arg11[%add3A_66, %add3A_365] : memref<256x128xf32, #tpu.memory_space<vmem>>[vector<16xi32>, vector<16xi32>], vector<16xf32>,
      %add3A_367 = arith.constant 29 : i32
      %add3A_368 = vector.broadcast %add3A_367 : i32 to vector<16xi32>
      %add3A_369 = arith.addi %mul3A_80, %add3A_368 : vector<16xi32>
      %gather3A_370 = tpu.vector_load_idx %arg12[%add3A_66, %add3A_369] : memref<256x128xf32, #tpu.memory_space<vmem>>[vector<16xi32>, vector<16xi32>], vector<16xf32>,
      %mul3A_371 = arith.mulf %gather3A_366, %gather3A_370 : vector<16xf32>
      %add3A_372 = arith.addf %add3A_362, %mul3A_371 : vector<16xf32>
      %add3A_373 = arith.constant 30 : i32
      %add3A_374 = vector.broadcast %add3A_373 : i32 to vector<16xi32>
      %add3A_375 = arith.addi %mul3A_72, %add3A_374 : vector<16xi32>
      %gather3A_376 = tpu.vector_load_idx %arg11[%add3A_66, %add3A_375] : memref<256x128xf32, #tpu.memory_space<vmem>>[vector<16xi32>, vector<16xi32>], vector<16xf32>,
      %add3A_377 = arith.constant 30 : i32
      %add3A_378 = vector.broadcast %add3A_377 : i32 to vector<16xi32>
      %add3A_379 = arith.addi %mul3A_80, %add3A_378 : vector<16xi32>
      %gather3A_380 = tpu.vector_load_idx %arg12[%add3A_66, %add3A_379] : memref<256x128xf32, #tpu.memory_space<vmem>>[vector<16xi32>, vector<16xi32>], vector<16xf32>,
      %mul3A_381 = arith.mulf %gather3A_376, %gather3A_380 : vector<16xf32>
      %add3A_382 = arith.addf %add3A_372, %mul3A_381 : vector<16xf32>
      %add3A_383 = arith.constant 31 : i32
      %add3A_384 = vector.broadcast %add3A_383 : i32 to vector<16xi32>
      %add3A_385 = arith.addi %mul3A_72, %add3A_384 : vector<16xi32>
      %gather3A_386 = tpu.vector_load_idx %arg11[%add3A_66, %add3A_385] : memref<256x128xf32, #tpu.memory_space<vmem>>[vector<16xi32>, vector<16xi32>], vector<16xf32>,
      %add3A_387 = arith.constant 31 : i32
      %add3A_388 = vector.broadcast %add3A_387 : i32 to vector<16xi32>
      %add3A_389 = arith.addi %mul3A_80, %add3A_388 : vector<16xi32>
      %gather3A_390 = tpu.vector_load_idx %arg12[%add3A_66, %add3A_389] : memref<256x128xf32, #tpu.memory_space<vmem>>[vector<16xi32>, vector<16xi32>], vector<16xf32>,
      %mul3A_391 = arith.mulf %gather3A_386, %gather3A_390 : vector<16xf32>
      %add3A_392 = arith.addf %add3A_382, %mul3A_391 : vector<16xf32>
      %swap3A = arith.index_cast %add3A_62 : i32 to index
      %swap3A_393 = tpu.vector_load %arg13[%swap3A] {strides = array<i32>} : memref<512xf32, #tpu.memory_space<vmem>>, vector<16xf32>,
      tpu.vector_store %arg13[%swap3A], %add3A_392 {strides = array<i32>} : memref<512xf32, #tpu.memory_space<vmem>>, vector<16xf32>,
    }
    %scan3A_57 = arith.constant 16 : i32
    "tpu.region"() ({
      %run_scoped3A = tpu.sem_alloc : memref<!tpu.dma_semaphore, #tpu.memory_space<semaphore_mem>>
      %dma_start3A_58 = tpu.memref_slice %arg6[%mul3A_2] : memref<16384xf32, #tpu.memory_space<hbm>> -> memref<512xf32, #tpu.memory_space<hbm>>
      %dma_start3A_59 = tpu.memref_slice %arg6[%mul3A_2] : memref<16384xf32, #tpu.memory_space<hbm>> -> memref<512xf32, #tpu.memory_space<hbm>>
      tpu.enqueue_dma source(%arg13 : memref<512xf32, #tpu.memory_space<vmem>>) target(%dma_start3A_59 : memref<512xf32, #tpu.memory_space<hbm>>) target_semaphore(%run_scoped3A : memref<!tpu.dma_semaphore, #tpu.memory_space<semaphore_mem>>)
      %dma_wait3A_60 = tpu.memref_slice %arg6[%mul3A_2] : memref<16384xf32, #tpu.memory_space<hbm>> -> memref<512xf32, #tpu.memory_space<hbm>>
      %dma_wait3A_61 = tpu.memref_slice %arg6[%mul3A_2] : memref<16384xf32, #tpu.memory_space<hbm>> -> memref<512xf32, #tpu.memory_space<hbm>>
      tpu.wait_dma2 semaphore(%run_scoped3A : memref<!tpu.dma_semaphore, #tpu.memory_space<semaphore_mem>>) src(%arg13 : memref<512xf32, #tpu.memory_space<vmem>>) dst(%dma_wait3A_61 : memref<512xf32, #tpu.memory_space<hbm>>)
      tpu.yield
    }) : () -> ()
    return
  }
}

</mosaic_0001>

<sc_bundles>
// kernel: kernel.3.cloned.1.call-start
scs
__scs_entry_jumppad:
0x0: {  	(pc) =	sbr.rel $0x88, $3  }
0x1: {  	(tag) =	ssettag $0x0;
	lr =	simm.s32 $0x1  }
0x2: {  	[smem:$0x3F9D] =	sst lr;
	_ =	strace $0xD0000000  }
0x3: {  	_ = 	snop  }
0x4: {  	_ = 	snop  }
0x5: {  	_ = 	snop  }
0x6: {  	_ = 	snop  }
0x7: {  	_ = 	snop  }
__scs_overlays_trampoline_lowered:
0x8: {  	[smem:$0x3FAC] =	sst s0  }
0x9: {  	[smem:$0x3FAD] =	sst s1  }
0xa: {  	[smem:$0x3FAE] =	sst s2  }
0xb: {  	[smem:$0x3FAF] =	sst s3  }
0xc: {  	[smem:$0x3FB0] =	sst s4  }
0xd: {  	[smem:$0x3FB1] =	sst s5  }
0xe: {  	[smem:$0x3FB2] =	sst s6  }
0xf: {  	[smem:$0x3FB3] =	sst s7  }
0x10: {  	[smem:$0x3FB4] =	sst s8  }
0x11: {  	[smem:$0x3FB5] =	sst s9;
	s0 =	simm.s32 @!p0 $0x0  }
0x12: {  	s1 =	sld [smem:$0x3F9B];
	s0 =	simm.s32 @p0 $0x1  }
0x13: {  	[smem:$0x3FB6] =	sst s0;
	s0 =	simm.s32 @!p1 $0x0  }
0x14: {  	s2 =	sld [smem:$0x3F9A];
	s0 =	simm.s32 @p1 $0x1  }
0x15: {  	[smem:$0x3FB7] =	sst s0;
	s0 =	simm.s32 @!p2 $0x0  }
0x16: {  	s3 =	sld [smem:$0x3FDB];
	s0 =	simm.s32 @p2 $0x1  }
0x17: {  	s4 =	simm.s32 $0x1BF5;
	[smem:$0x3FB9] =	sst s0  }
0x18: {  	s0 =	sld [smem:$0x3F9C];
	_ =	swait.ge [sflag:s4], $0x0  }
0x19: {  	s7 =	sld [smem:$0x3F9D]  }
0x1a: {  	s8 =	sadd.s32 $0xFFFFE003, lr  }
0x1b: {  	s9 =	sadd.s32 $0xFFFFFEF7, lr;
	s5 =	simm.s32 $0xFFFFFFFF;
	p2 =	slt.u32 s8, $0xFFFFF086  }
0x1c: {  	p1 =	slt.u32 s9, $0xF7A;
	s5 =	simm.s32 @!p2 $0x0  }
0x1d: {  	s5 =	simm.s32 @p1 $0x1;
	p0 =	seq.s32 s7, s2  }
0x1e: {  	s7 =	smul.u32 @!p0 $0xF7A, s2;
	p2 =	seq.s32 @!p0 s5, $0x0  }
0x1f: {  	s9 =	smul.u32 $0xF7A, s1;
	s8 =	simm.s32 @!p0 $0x1BF5;
	p2 =	por !p2, p0  }
0x20: {  	[sflag:s8] =	ssyncset.s32 @!p0 $0xFFFFF086;
	s6 =	sadd.s32 @!p0 s3, s7;
	s7 =	simm.s32 @!p0 $0x108  }
0x21: {  	s3 =	sadd.s32 s3, s9;
	s6 =	sadd.s32 @!p0 $0x88, s6;
	s7 =	simm.s32 @p2 $0x1082  }
0x22: {  	[simem:s7], [sflag:s8] =	dma.local @!p0 [hbm:s6], $0xF7A  }
0x23: {  	s9 =	sor.u32 $0xD0000000, s2;
	s6 =	simm.s32 $0x108;
	_ =	swait.ge @!p0 [sflag:s8], $0x0  }
0x24: {  	s3 =	sadd.s32 $0x88, s3;
	s6 =	simm.s32 @!p1 $0x1082;
	[sflag:s4] =	ssyncset.s32 $0xFFFFF086  }
0x25: {  	[simem:s6], [sflag:s4] =	dma.local [hbm:s3], $0xF7A  }
0x26: {  	[smem:$0x3F9D] =	sst s1;
	(tag) =	ssettag s2;
	_ =	strace s9  }
0x27: {  	s1 =	sld [smem:$0x3FAD]  }
0x28: {  	s2 =	sld [smem:$0x3FAE]  }
0x29: {  	s4 =	sld [smem:$0x3FB0]  }
0x2a: {  	p0 =	seq.s32 s5, $0x0;
	s5 =	sld [smem:$0x3FB1]  }
0x2b: {  	s6 =	sld [smem:$0x3FB2]  }
0x2c: {  	s7 =	sld [smem:$0x3FB3]  }
0x2d: {  	s3 =	simm.s32 $0x108;
	s8 =	sld [smem:$0x3FB4]  }
0x2e: {  	s3 =	simm.s32 @!p0 $0x1082;
	s9 =	sld [smem:$0x3FB5]  }
0x2f: {  	lr =	sadd.s32 s0, s3;
	s0 =	sld [smem:$0x3FAC]  }
0x30: {  	s3 =	sld [smem:$0x3FAF]  }
0x31: {  	[smem:$0x3FB8] =	sst s10  }
0x32: {  	s10 =	sld [smem:$0x3FB6];
	_ =	sdelay $0x3  }
0x33: {  	p0 =	seq.s32 s10, $0x1;
	s10 =	sld [smem:$0x3FB8];
	_ =	sdelay $0x3  }
0x34: {  	[smem:$0x3FB8] =	sst s10  }
0x35: {  	s10 =	sld [smem:$0x3FB7];
	_ =	sdelay $0x3  }
0x36: {  	p1 =	seq.s32 s10, $0x1;
	s10 =	sld [smem:$0x3FB8];
	_ =	sdelay $0x3  }
0x37: {  	[smem:$0x3FB8] =	sst s10  }
0x38: {  	s10 =	sld [smem:$0x3FB9]  }
0x39: {  	_ = 	snop;
	(pc) =	sbr.ind lr, $3  }
0x3a: {  	_ = 	snop  }
0x3b: {  	_ = 	snop  }
0x3c: {  	p2 =	seq.s32 s10, $0x1;
	s10 =	sld [smem:$0x3FB8]  }
0x3d: {  	_ =	shalt  }
0x3e: {  	_ =	shalt  }
0x3f: {  	_ =	shalt  }
0x40: {  	_ =	shalt  }
0x41: {  	_ =	shalt  }
0x42: {  	_ =	shalt  }
0x43: {  	_ =	shalt  }
0x44: {  	_ =	shalt  }
0x45: {  	_ =	shalt  }
0x46: {  	_ =	shalt  }
0x47: {  	_ =	shalt  }
0x48: {  	_ =	shalt  }
0x49: {  	_ =	shalt  }
0x4a: {  	_ =	shalt  }
0x4b: {  	_ =	shalt  }
0x4c: {  	_ =	shalt  }
0x4d: {  	_ =	shalt  }
0x4e: {  	_ =	shalt  }
0x4f: {  	_ =	shalt  }
0x50: {  	_ =	shalt  }
0x51: {  	_ =	shalt  }
0x52: {  	_ =	shalt  }
0x53: {  	_ =	shalt  }
0x54: {  	_ =	shalt  }
0x55: {  	_ =	shalt  }
0x56: {  	_ =	shalt  }
0x57: {  	_ =	shalt  }
0x58: {  	_ =	shalt  }
0x59: {  	_ =	shalt  }
0x5a: {  	_ =	shalt  }
0x5b: {  	_ =	shalt  }
0x5c: {  	_ =	shalt  }
0x5d: {  	_ =	shalt  }
0x5e: {  	_ =	shalt  }
0x5f: {  	_ =	shalt  }
0x60: {  	_ =	shalt  }
0x61: {  	_ =	shalt  }
0x62: {  	_ =	shalt  }
0x63: {  	_ =	shalt  }
0x64: {  	_ =	shalt  }
0x65: {  	_ =	shalt  }
0x66: {  	_ =	shalt  }
0x67: {  	_ =	shalt  }
0x68: {  	_ =	shalt  }
0x69: {  	_ =	shalt  }
0x6a: {  	_ =	shalt  }
0x6b: {  	_ =	shalt  }
0x6c: {  	_ =	shalt  }
0x6d: {  	_ =	shalt  }
0x6e: {  	_ =	shalt  }
0x6f: {  	_ =	shalt  }
0x70: {  	_ =	shalt  }
0x71: {  	_ =	shalt  }
0x72: {  	_ =	shalt  }
0x73: {  	_ =	shalt  }
0x74: {  	_ =	shalt  }
0x75: {  	_ =	shalt  }
0x76: {  	_ =	shalt  }
0x77: {  	_ =	shalt  }
0x78: {  	_ =	shalt  }
0x79: {  	_ =	shalt  }
0x7a: {  	_ =	shalt  }
0x7b: {  	_ =	shalt  }
0x7c: {  	_ =	shalt  }
0x7d: {  	_ =	shalt  }
0x7e: {  	_ =	shalt  }
0x7f: {  	_ =	shalt  }
0x80: {  	_ =	shalt  }
0x81: {  	_ =	shalt  }
0x82: {  	_ =	shalt  }
0x83: {  	_ =	shalt  }
0x84: {  	_ =	shalt  }
0x85: {  	_ =	shalt  }
0x86: {  	_ =	shalt  }
0x87: {  	_ =	shalt  }
.Lfunc_end0:
.L_simem_size_0:
called_computation_lowered:
.L_overlay_start_0:
0x88: {  	s2 =	sld [smem:$0x3FD9]  }
0x89: {  	s3 =	sld [smem:$0x3FFE];
	_ =	sdelay $0x1  }
0x8a: {  	s1 =	srdreg.scid  }
0x8b: {  	s0 =	sand.u32 $0x1, s1  }
0x8c: {  	s17 =	sshll.u32 s0, $0xA;
	s2 =	sadd.s32 s3, s2  }
0x8d: {  	s2 =	sadd.s32 s2, s17  }
0x8e: {  	[smem:$0x3FC4] =	sst s2  }
0x8f: {  	_ = 	snop  }
0x90: {  	s2 =	sld [smem:$0x3FC9]  }
0x91: {  	s18 =	sld [smem:$0x3FC8]  }
0x92: {  	s4 =	sld [smem:$0x3FD0];
	(tm) =	ssettm $0x1  }
0x93: {  	s5 =	sld [smem:$0x3FFB];
	_ =	sdelay $0x3  }
0x94: {  	_ =	strace s5  }
0x95: {  	s5 =	sld [smem:$0x3FFC];
	_ =	sdelay $0x3  }
0x96: {  	_ =	strace s5  }
0x97: {  	s5 =	sld [smem:$0x3FFD];
	_ =	sdelay $0x3  }
0x98: {  	_ =	strace s5  }
0x99: {  	_ =	strace $0x8FFFFFFF  }
0x9a: {  	s19 =	sld [smem:$0x3FDB];
	_ =	sdelay $0x1  }
0x9b: {  	s6 =	simm.s32 $_scs_section_size  }
0x9c: {  	s7 =	simm.s32 $_size__tile_overlayer_lowered;
	s8 =	simm.s32 $_tile_overlayer_lowered  }
0x9d: {  	s22 =	simm.s32 $0x1BFF;
	s21 =	sshll.u32 s8, $0x1;
	s5 =	sadd.s32 s6, s19  }
0x9e: {  	s9 =	simm.s32 $0x0;
	s20 =	sshll.u32 s7, $0x1;
	s7 =	sadd.s32 s21, s5  }
0x9f: {  	[timem:s9], [sflag:s22] =	dma.local [hbm:s7], s20  }
0xa0: {  	_ =	swait.ge [sflag:s22], s20  }
0xa1: {  	s6 =	ssub.s32 $0x0, s20;
	[sflag:s22] =	ssyncset.done $0x0  }
0xa2: {  	[sflag:s22] =	ssyncadd.s32 s6;
	_ =	sdelay $0x1  }
0xa3: {  	s23 =	simm.s32 $0x1B8B  }
0xa4: {  	_ =	swait.ge [sflag:s23], $0x1  }
0xa5: {  	[sflag:s23] =	ssyncset.done $0x0  }
0xa6: {  	s25 =	simm.s32 $0x1B8E;
	s24 =	sld [smem:$0x3FFE];
	[sflag:s23] =	ssyncadd.s32 $0xFFFFFFFF  }
0xa7: {  	s26 =	simm.s32 $execute0_lowered;
	[smem:$0x3FD2] =	sst s25  }
0xa8: {  	s7 =	sshll.u32 s26, $0x1;
	_ =	strace $0x80000046;
	[dreg:$0x1] =	wrdreg $0xFFFFFFFF  }
0xa9: {  	s28 =	simm.s32 $_size_execute0_lowered;
	s5 =	sadd.s32 s5, s7;
	[dreg:$0x0] =	wrdreg $0x0  }
0xaa: {  	s7 =	sshll.u32 s28, $0x1;
	[dreg:$0x2] =	wrdreg s5  }
0xab: {  	[dreg:$0x3] =	wrdreg s7  }
0xac: {  	[dreg:$0x4] =	wrdreg $0xC0  }
0xad: {  	_ =	task [dreg:s9], $0x5FFFF  }
0xae: {  	[dreg:$0x1] =	wrdreg $0xFFFFFFFF  }
0xaf: {  	[dreg:$0x0] =	wrdreg $0x60  }
0xb0: {  	[dreg:$0x2] =	wrdreg s2  }
0xb1: {  	[dreg:$0x3] =	wrdreg s18  }
0xb2: {  	[dreg:$0x4] =	wrdreg s24  }
0xb3: {  	[dreg:$0x5] =	wrdreg s4  }
0xb4: {  	[dreg:$0x6] =	wrdreg $0x9  }
0xb5: {  	_ =	task.clear_ibuf [dreg:s9], $0x7FFFF;
	_ =	strace $0x90000046  }
0xb6: {  	s29 =	simm.s32 $0x9;
	_ =	strace $0x80000048  }
0xb7: {  	_ =	swait.ge [sflag:s29], $0x1  }
0xb8: {  	[sflag:s29] =	ssyncadd.s32 $0xFFFFFFFF  }
0xb9: {  	_ =	strace $0x90000048  }
0xba: {  	_ =	sfence  }
0xbb: {  	s30 =	sld [smem:$0x0];
	_ =	sdelay $0x2  }
0xbc: {  	s31 =	sshll.u32 s1, $0xD;
	s1 =	sshrl.u32 s1, $0x2  }
0xbd: {  	s3 =	sand.u32 $0x4000, s31;
	s1 =	sadd.s32 s1, s30  }
0xbe: {  	s0 =	sor.u32 s3, s0;
	s1 =	sshll.u32 s1, $0x11  }
0xbf: {  	s0 =	sor.u32 s1, s0  }
0xc0: {  	s0 =	sadd.s32 $0x8F2B, s0  }
0xc1: {  	[sflag:s0] =	ssyncadd.remote.s32 $0x1  }
0xc2: {  	_ =	sfence.sel $0xFFFF  }
0xc3: {  	[dreg:$0x0] =	wrdreg $0xFFFFFFFF;
	(pc) =	sbr.abs _section_cstart, $3  }
0xc4: {  	[dreg:$0x1] =	wrdreg $0xFFFFFFFF  }
0xc5: {  	_ =	task.clear_ibuf [dreg:s9], $0x2FFFF;
	_ =	strace $0x9FFFFFFF  }
0xc6: {  	(tm) =	ssettm $0x7FFFFFFF  }
0xc7: {  	_ =	shalt  }
tec
execute0_lowered:
.L_overlay_start_1:
0x0: {  	(tag) =	ssettag $0x1  }
0x1: {  	s5 =	rddreg [dreg:$0x0]  }
0x2: {  	s6 =	rddreg [dreg:$0x1]  }
0x3: {  	s4 =	rddreg [dreg:$0x2]  }
0x4: {  	s7 =	rddreg [dreg:$0x3]  }
0x5: {  	s0 =	rddreg [dreg:$0x4];
	s1 =	simm.s32 $0x0  }
0x6: {  	s8 =	srdreg.scid;
	s2 =	stileid.u32;
	s12 =	simm.s32 $0x400  }
0x7: {  	s13 =	simm.s32 $0x800;
	s14 =	simm.s32 $0x600;
	s15 =	simm.s32 $0x8800  }
0x8: {  	s16 =	simm.s32 $0x1;
	s17 =	simm.s32 $0x2;
	s18 =	simm.s32 $0x500  }
0x9: {  	s19 =	simm.s32 $0x700;
	s20 =	simm.s32 $0x10800;
	s21 =	simm.s32 $0x0  }
0xa: {  	[smem:$0x7FF] =	sst s1;
	s3 =	sadd.s32 $0xF42800, s4;
	s8 =	sand.u32 $0x1, s8  }
0xb: {  	s10 =	sshll.u32 s2, $0x7;
	s4 =	sadd.s32 $0x1313200, s4;
	s9 =	ssub.s32 $0x2, s8  }
0xc: {  	_ =	strace $0x80000047;
	s8 =	sshll.u32 s8, $0x6;
	s11 =	sshrl.u32 s9, $0x1  }
0xd: {  	s8 =	sor.u32 s8, s10;
	s10 =	simm.s32 $0x200;
	s9 =	ssub.s32 s9, s11  }
0xe: {  	v0 =	vlaneseq.u32;
	s5 =	sadd.s32 s5, s8;
	s6 =	sadd.s32 s6, s8;
	s7 =	sadd.s32 s7, s8  }
0xf: {  	v0 =	vmul.u32 $0x80, v0;
	s11 =	simm.s32 $0x100;
	s8 =	smax.u32 s9, $0x1;
	s9 =	simm.s32 $0x3  }
.LBB2_1:
0x10: {  	[tilespmem:s1], [sflag:$0x3] =	stream.linear.gather [hbm4b:s5+s1], $0x200, $0x38;
	[tilespmem:$0x10A00] =	vst v63  }
0x11: {  	_ =	swait.ge [sflag:s9], $0x200  }
0x12: {  	[sflag:s9] =	ssyncset.done $0x0  }
0x13: {  	[sflag:s9] =	ssyncadd.s32 $0xFFFFFE00  }
0x14: {  	[tilespmem:s10], [sflag:$0x3] =	stream.linear.gather [hbm4b:s6+s1], $0x200, $0x38;
	[tilespmem:$0x10A00] =	vst v63  }
0x15: {  	_ =	swait.ge [sflag:s9], $0x200  }
0x16: {  	[sflag:s9] =	ssyncset.done $0x0  }
0x17: {  	s22 =	simm.s32 $0x0;
	[sflag:s9] =	ssyncadd.s32 $0xFFFFFE00  }
0x18: {  	v1 =	vld [tilespmem:s22+$0x200]  }
0x19: {  	s23 =	simm.s32 $0x40;
	v2 =	vld [tilespmem:s22+$0x0]  }
.LBB2_2:
0x1a: {  	p0 =	sne.s32 s23, $0x7C0  }
.Ltmp0:
0x1b: {  	_ = 	snop;
	(pc) =	sbr.rel @p0 .LBB2_2-.Ltmp0, $4  }
0x1c: {  	_ = 	snop  }
0x1d: {  	s24 =	sshra.s32 s23, $0x2;
	s23 =	sadd.s32 $0x40, s23;
	v3 =	vshrl.u32 v1, $0x2  }
0x1e: {  	v1 =	vld [tilespmem:s24+$0x200];
	v4 =	vshrl.u32 v2, $0x2;
	[tilespmem:s22+$0x600] =	vst v3  }
0x1f: {  	v2 =	vld [tilespmem:s24+$0x0];
	[tilespmem:s22+$0x400] =	vst v4;
	s22 =	smov.u32 s24  }
0x20: {  	_ =	sdelay $0x2  }
0x21: {  	v1 =	vshrl.u32 v1, $0x2  }
0x22: {  	v2 =	vshrl.u32 v2, $0x2;
	[tilespmem:s22+$0x600] =	vst v1  }
0x23: {  	[tilespmem:s22+$0x400] =	vst v2  }
0x24: {  	[tilespmem:s13], [sflag:$0x1] =	stream.indirect.gather [hbm4b:s3+s11], $0x80, s12, s11, $0xb8;
	[tilespmem:$0x10A00] =	vst v63  }
0x25: {  	_ = 	snop  }
0x26: {  	[tilespmem:s15], [sflag:$0x2] =	stream.indirect.gather [hbm4b:s4+s11], $0x80, s14, s11, $0xb8;
	[tilespmem:$0x10A00] =	vst v63  }
0x27: {  	_ =	swait.ge [sflag:s16], $0x8000  }
0x28: {  	[sflag:s16] =	ssyncset.done $0x0  }
0x29: {  	[sflag:s16] =	ssyncadd.s32 $0xFFFF8000  }
0x2a: {  	_ =	swait.ge [sflag:s17], $0x8000  }
0x2b: {  	[sflag:s17] =	ssyncset.done $0x0  }
0x2c: {  	s31 =	simm.s32 $0x0;
	[sflag:s17] =	ssyncadd.s32 $0xFFFF8000  }
0x2d: {  	s23 =	simm.s32 $0x200;
	v1 =	vld [tilespmem:s31+$0x0]  }
0x2e: {  	v2 =	vld [tilespmem:s23+$0x0];
	_ =	sdelay $0x2  }
0x2f: {  	v3 =	vmov s31  }
0x30: {  	v3 =	vshll.u32 v3, $0x7;
	v1 =	vshll.u32 v1, $0x5  }
0x31: {  	v3 =	vor.u32 v0, v3;
	v2 =	vshll.u32 v2, $0x5;
	v1 =	vand.u32 $0x60, v1  }
0x32: {  	v2 =	vand.u32 $0x60, v2;
	v1 =	vor.u32 v3, v1  }
0x33: {  	v2 =	vor.u32 v3, v2  }
0x34: {  	v4 =	vor.u32 $0x1, v1  }
0x35: {  	v3 =	vor.u32 $0x1, v2  }
0x36: {  	v5 =	vor.u32 $0x2, v1  }
0x37: {  	v7 =	vor.u32 $0x2, v2;
	v6 =	vld.idx.msk [tilespmem:v1+s13+$0x0], $0xffff  }
0x38: {  	v8 =	vor.u32 $0x3, v1;
	v9 =	vld.idx.msk [tilespmem:v2+s15+$0x0], $0xffff  }
0x39: {  	v10 =	vor.u32 $0x3, v2;
	v4 =	vld.idx.msk [tilespmem:v4+s13+$0x0], $0xffff  }
0x3a: {  	v11 =	vor.u32 $0x4, v1;
	v3 =	vld.idx.msk [tilespmem:v3+s15+$0x0], $0xffff  }
0x3b: {  	v12 =	vor.u32 $0x4, v2;
	v5 =	vld.idx.msk [tilespmem:v5+s13+$0x0], $0xffff  }
0x3c: {  	v13 =	vor.u32 $0x5, v1;
	v7 =	vld.idx.msk [tilespmem:v7+s15+$0x0], $0xffff  }
0x3d: {  	v14 =	vor.u32 $0x5, v2;
	v8 =	vld.idx.msk [tilespmem:v8+s13+$0x0], $0xffff  }
0x3e: {  	v15 =	vor.u32 $0x6, v1;
	v10 =	vld.idx.msk [tilespmem:v10+s15+$0x0], $0xffff  }
0x3f: {  	v16 =	vor.u32 $0x6, v2;
	v11 =	vld.idx.msk [tilespmem:v11+s13+$0x0], $0xffff;
	v6 =	vmul.f32 v9, v6;
	v3 =	vmul.f32 v3, v4  }
0x40: {  	v50 =	vor.u32 $0x7, v2;
	v47 =	vld.idx.msk [tilespmem:v12+s15+$0x0], $0xffff  }
0x41: {  	v48 =	vor.u32 $0x7, v1;
	v49 =	vld.idx.msk [tilespmem:v13+s13+$0x0], $0xffff;
	v5 =	vmul.f32 v7, v5;
	v3 =	vadd.f32 v3, v6  }
0x42: {  	v54 =	vor.u32 $0x8, v2;
	v51 =	vld.idx.msk [tilespmem:v14+s15+$0x0], $0xffff  }
0x43: {  	v52 =	vor.u32 $0x8, v1;
	v53 =	vld.idx.msk [tilespmem:v15+s13+$0x0], $0xffff;
	v55 =	vmul.f32 v10, v8;
	v3 =	vadd.f32 v5, v3  }
0x44: {  	v58 =	vor.u32 $0x9, v2;
	v56 =	vld.idx.msk [tilespmem:v16+s15+$0x0], $0xffff  }
0x45: {  	v57 =	vor.u32 $0x9, v1;
	v59 =	vld.idx.msk [tilespmem:v50+s15+$0x0], $0xffff;
	v4 =	vmul.f32 v47, v11;
	v3 =	vadd.f32 v55, v3  }
0x46: {  	v61 =	vor.u32 $0xA, v2;
	v9 =	vld.idx.msk [tilespmem:v48+s13+$0x0], $0xffff  }
0x47: {  	v60 =	vor.u32 $0xA, v1;
	v63 =	vld.idx.msk [tilespmem:v54+s15+$0x0], $0xffff;
	v62 =	vmul.f32 v51, v49;
	v3 =	vadd.f32 v4, v3  }
0x48: {  	v20 =	vor.u32 $0xB, v1;
	v7 =	vld.idx.msk [tilespmem:v52+s13+$0x0], $0xffff  }
0x49: {  	v21 =	vor.u32 $0xB, v2;
	v23 =	vld.idx.msk [tilespmem:v58+s15+$0x0], $0xffff;
	v22 =	vmul.f32 v56, v53;
	v3 =	vadd.f32 v62, v3  }
0x4a: {  	v24 =	vor.u32 $0xC, v1;
	v10 =	vld.idx.msk [tilespmem:v57+s13+$0x0], $0xffff  }
0x4b: {  	v25 =	vor.u32 $0xC, v2;
	v27 =	vld.idx.msk [tilespmem:v61+s15+$0x0], $0xffff;
	v26 =	vmul.f32 v59, v9;
	v3 =	vadd.f32 v22, v3  }
0x4c: {  	v29 =	vor.u32 $0xD, v2;
	v11 =	vld.idx.msk [tilespmem:v60+s13+$0x0], $0xffff  }
0x4d: {  	v28 =	vor.u32 $0xD, v1;
	v12 =	vld.idx.msk [tilespmem:v20+s13+$0x0], $0xffff;
	v30 =	vmul.f32 v63, v7;
	v3 =	vadd.f32 v26, v3  }
0x4e: {  	v33 =	vor.u32 $0xE, v2;
	v31 =	vld.idx.msk [tilespmem:v21+s15+$0x0], $0xffff  }
0x4f: {  	v32 =	vor.u32 $0xE, v1;
	v14 =	vld.idx.msk [tilespmem:v24+s13+$0x0], $0xffff;
	v34 =	vmul.f32 v23, v10;
	v3 =	vadd.f32 v30, v3  }
0x50: {  	v37 =	vor.u32 $0xF, v2;
	v35 =	vld.idx.msk [tilespmem:v25+s15+$0x0], $0xffff  }
0x51: {  	v36 =	vor.u32 $0xF, v1;
	v39 =	vld.idx.msk [tilespmem:v29+s15+$0x0], $0xffff;
	v38 =	vmul.f32 v27, v11;
	v3 =	vadd.f32 v34, v3  }
0x52: {  	v41 =	vor.u32 $0x10, v2;
	v9 =	vld.idx.msk [tilespmem:v28+s13+$0x0], $0xffff  }
0x53: {  	v40 =	vor.u32 $0x10, v1;
	v43 =	vld.idx.msk [tilespmem:v33+s15+$0x0], $0xffff;
	v42 =	vmul.f32 v31, v12;
	v3 =	vadd.f32 v38, v3  }
0x54: {  	v44 =	vor.u32 $0x11, v1;
	v7 =	vld.idx.msk [tilespmem:v32+s13+$0x0], $0xffff  }
0x55: {  	v45 =	vor.u32 $0x11, v2;
	v46 =	vmul.f32 v35, v14;
	v47 =	vld.idx.msk [tilespmem:v37+s15+$0x0], $0xffff;
	v3 =	vadd.f32 v42, v3  }
0x56: {  	v48 =	vor.u32 $0x12, v1;
	v10 =	vld.idx.msk [tilespmem:v36+s13+$0x0], $0xffff  }
0x57: {  	v49 =	vor.u32 $0x12, v2;
	v51 =	vld.idx.msk [tilespmem:v41+s15+$0x0], $0xffff;
	v50 =	vmul.f32 v39, v9;
	v3 =	vadd.f32 v46, v3  }
0x58: {  	v53 =	vor.u32 $0x13, v2;
	v11 =	vld.idx.msk [tilespmem:v40+s13+$0x0], $0xffff  }
0x59: {  	v52 =	vor.u32 $0x13, v1;
	v12 =	vld.idx.msk [tilespmem:v44+s13+$0x0], $0xffff;
	v54 =	vmul.f32 v43, v7;
	v3 =	vadd.f32 v50, v3  }
0x5a: {  	v56 =	vor.u32 $0x14, v1;
	v55 =	vld.idx.msk [tilespmem:v45+s15+$0x0], $0xffff  }
0x5b: {  	v57 =	vor.u32 $0x14, v2;
	v14 =	vld.idx.msk [tilespmem:v48+s13+$0x0], $0xffff;
	v58 =	vmul.f32 v47, v10;
	v3 =	vadd.f32 v54, v3  }
0x5c: {  	v60 =	vor.u32 $0x15, v1;
	v59 =	vld.idx.msk [tilespmem:v49+s15+$0x0], $0xffff  }
0x5d: {  	v61 =	vor.u32 $0x15, v2;
	v63 =	vld.idx.msk [tilespmem:v53+s15+$0x0], $0xffff;
	v62 =	vmul.f32 v51, v11;
	v3 =	vadd.f32 v58, v3  }
0x5e: {  	v19 =	vor.u32 $0x16, v1;
	v9 =	vld.idx.msk [tilespmem:v52+s13+$0x0], $0xffff  }
0x5f: {  	v20 =	vor.u32 $0x16, v2;
	v7 =	vld.idx.msk [tilespmem:v56+s13+$0x0], $0xffff;
	v21 =	vmul.f32 v55, v12;
	v3 =	vadd.f32 v62, v3  }
0x60: {  	v23 =	vor.u32 $0x17, v1;
	v22 =	vld.idx.msk [tilespmem:v57+s15+$0x0], $0xffff  }
0x61: {  	v24 =	vor.u32 $0x17, v2;
	v10 =	vld.idx.msk [tilespmem:v60+s13+$0x0], $0xffff;
	v25 =	vmul.f32 v59, v14;
	v3 =	vadd.f32 v21, v3  }
0x62: {  	v27 =	vor.u32 $0x18, v1;
	v26 =	vld.idx.msk [tilespmem:v61+s15+$0x0], $0xffff  }
0x63: {  	v28 =	vor.u32 $0x18, v2;
	v11 =	vld.idx.msk [tilespmem:v19+s13+$0x0], $0xffff;
	v29 =	vmul.f32 v63, v9;
	v3 =	vadd.f32 v25, v3  }
0x64: {  	v31 =	vor.u32 $0x19, v1;
	v30 =	vld.idx.msk [tilespmem:v20+s15+$0x0], $0xffff  }
0x65: {  	v32 =	vor.u32 $0x19, v2;
	v12 =	vld.idx.msk [tilespmem:v23+s13+$0x0], $0xffff;
	v33 =	vmul.f32 v22, v7;
	v3 =	vadd.f32 v29, v3  }
0x66: {  	v35 =	vor.u32 $0x1A, v1;
	v34 =	vld.idx.msk [tilespmem:v24+s15+$0x0], $0xffff  }
0x67: {  	v36 =	vor.u32 $0x1A, v2;
	v14 =	vld.idx.msk [tilespmem:v27+s13+$0x0], $0xffff;
	v37 =	vmul.f32 v26, v10;
	v3 =	vadd.f32 v33, v3  }
0x68: {  	v39 =	vor.u32 $0x1B, v1;
	v38 =	vld.idx.msk [tilespmem:v28+s15+$0x0], $0xffff  }
0x69: {  	v40 =	vor.u32 $0x1B, v2;
	v9 =	vld.idx.msk [tilespmem:v31+s13+$0x0], $0xffff;
	v41 =	vmul.f32 v30, v11;
	v3 =	vadd.f32 v37, v3  }
0x6a: {  	v43 =	vor.u32 $0x1C, v1;
	v42 =	vld.idx.msk [tilespmem:v32+s15+$0x0], $0xffff  }
0x6b: {  	v44 =	vor.u32 $0x1C, v2;
	v7 =	vld.idx.msk [tilespmem:v35+s13+$0x0], $0xffff;
	v45 =	vmul.f32 v34, v12;
	v3 =	vadd.f32 v41, v3  }
0x6c: {  	v48 =	vor.u32 $0x1D, v2;
	v46 =	vld.idx.msk [tilespmem:v36+s15+$0x0], $0xffff  }
0x6d: {  	v47 =	vor.u32 $0x1D, v1;
	v10 =	vld.idx.msk [tilespmem:v39+s13+$0x0], $0xffff;
	v49 =	vmul.f32 v38, v14;
	v3 =	vadd.f32 v45, v3  }
0x6e: {  	v52 =	vor.u32 $0x1E, v2;
	v50 =	vld.idx.msk [tilespmem:v40+s15+$0x0], $0xffff  }
0x6f: {  	v51 =	vor.u32 $0x1E, v1;
	v11 =	vld.idx.msk [tilespmem:v43+s13+$0x0], $0xffff;
	v53 =	vmul.f32 v42, v9;
	v3 =	vadd.f32 v49, v3  }
0x70: {  	v2 =	vor.u32 $0x1F, v2;
	v54 =	vld.idx.msk [tilespmem:v44+s15+$0x0], $0xffff  }
0x71: {  	v1 =	vor.u32 $0x1F, v1;
	v57 =	vld.idx.msk [tilespmem:v48+s15+$0x0], $0xffff;
	v56 =	vmul.f32 v46, v7;
	v3 =	vadd.f32 v53, v3  }
0x72: {  	v55 =	vld.idx.msk [tilespmem:v47+s13+$0x0], $0xffff  }
0x73: {  	v60 =	vld.idx.msk [tilespmem:v52+s15+$0x0], $0xffff;
	v59 =	vmul.f32 v50, v10;
	v3 =	vadd.f32 v56, v3  }
0x74: {  	v58 =	vld.idx.msk [tilespmem:v51+s13+$0x0], $0xffff  }
0x75: {  	v2 =	vld.idx.msk [tilespmem:v2+s15+$0x0], $0xffff;
	v61 =	vmul.f32 v54, v11;
	v3 =	vadd.f32 v59, v3  }
0x76: {  	v1 =	vld.idx.msk [tilespmem:v1+s13+$0x0], $0xffff  }
0x77: {  	v62 =	vmul.f32 v57, v55;
	v3 =	vadd.f32 v61, v3;
	_ =	sdelay $0x1  }
0x78: {  	v63 =	vmul.f32 v60, v58;
	v3 =	vadd.f32 v62, v3;
	_ =	sdelay $0x1  }
0x79: {  	v1 =	vmul.f32 v2, v1;
	v3 =	vadd.f32 v63, v3;
	_ =	sdelay $0x1  }
0x7a: {  	v1 =	vadd.f32 v1, v3  }
0x7b: {  	s22 =	simm.s32 $0x10800  }
0x7c: {  	s23 =	simm.s32 $0x10;
	[tilespmem:s22+$0x0] =	vst v1  }
0x7d: {  	v2 =	vld [tilespmem:s23+$0x0]  }
0x7e: {  	s24 =	simm.s32 $0x210  }
0x7f: {  	s25 =	simm.s32 $0x20;
	s26 =	simm.s32 $0x10;
	v1 =	vld [tilespmem:s24+$0x0]  }
.LBB2_4:
0x80: {  	p0 =	sne.s32 s25, $0xF0  }
0x81: {  	v3 =	vmov s23;
	s23 =	smov.u32 s25  }
0x82: {  	v3 =	vshll.u32 v3, $0x7;
	v2 =	vshll.u32 v2, $0x5  }
0x83: {  	v3 =	vor.u32 v0, v3;
	v2 =	vand.u32 $0x60, v2  }
0x84: {  	v4 =	vshll.u32 v1, $0x5;
	v1 =	vor.u32 v3, v2  }
0x85: {  	v2 =	vand.u32 $0x60, v4;
	v4 =	vor.u32 $0x1, v1  }
0x86: {  	v2 =	vor.u32 v3, v2  }
0x87: {  	v3 =	vor.u32 $0x1, v2  }
0x88: {  	v5 =	vor.u32 $0x2, v1  }
0x89: {  	v7 =	vor.u32 $0x2, v2;
	v6 =	vld.idx.msk [tilespmem:v1+s13+$0x0], $0xffff  }
0x8a: {  	v8 =	vor.u32 $0x3, v1;
	v4 =	vld.idx.msk [tilespmem:v4+s13+$0x0], $0xffff  }
0x8b: {  	v10 =	vor.u32 $0x3, v2;
	v9 =	vld.idx.msk [tilespmem:v2+s15+$0x0], $0xffff  }
0x8c: {  	v11 =	vor.u32 $0x4, v1;
	v3 =	vld.idx.msk [tilespmem:v3+s15+$0x0], $0xffff  }
0x8d: {  	v12 =	vor.u32 $0x4, v2;
	v5 =	vld.idx.msk [tilespmem:v5+s13+$0x0], $0xffff  }
0x8e: {  	v13 =	vor.u32 $0x5, v1;
	v7 =	vld.idx.msk [tilespmem:v7+s15+$0x0], $0xffff  }
0x8f: {  	v14 =	vor.u32 $0x5, v2;
	v8 =	vld.idx.msk [tilespmem:v8+s13+$0x0], $0xffff  }
0x90: {  	v15 =	vor.u32 $0x6, v1;
	v10 =	vld.idx.msk [tilespmem:v10+s15+$0x0], $0xffff  }
0x91: {  	v16 =	vor.u32 $0x6, v2;
	v11 =	vld.idx.msk [tilespmem:v11+s13+$0x0], $0xffff  }
0x92: {  	v6 =	vmul.f32 v9, v6;
	v9 =	vor.u32 $0x7, v1;
	v3 =	vmul.f32 v3, v4;
	v4 =	vld.idx.msk [tilespmem:v12+s15+$0x0], $0xffff  }
0x93: {  	v12 =	vld.idx.msk [tilespmem:v13+s13+$0x0], $0xffff;
	v13 =	vor.u32 $0x7, v2  }
0x94: {  	v3 =	vadd.f32 v3, v6;
	v5 =	vmul.f32 v7, v5;
	v7 =	vor.u32 $0x8, v1;
	v6 =	vld.idx.msk [tilespmem:v14+s15+$0x0], $0xffff  }
0x95: {  	v14 =	vld.idx.msk [tilespmem:v15+s13+$0x0], $0xffff;
	v15 =	vor.u32 $0x8, v2  }
0x96: {  	v3 =	vadd.f32 v5, v3;
	v5 =	vmul.f32 v10, v8;
	v10 =	vor.u32 $0x9, v1;
	v8 =	vld.idx.msk [tilespmem:v16+s15+$0x0], $0xffff  }
0x97: {  	v16 =	vor.u32 $0x9, v2;
	v9 =	vld.idx.msk [tilespmem:v9+s13+$0x0], $0xffff  }
0x98: {  	v3 =	vadd.f32 v5, v3;
	v4 =	vmul.f32 v4, v11;
	v11 =	vor.u32 $0xA, v1;
	v5 =	vld.idx.msk [tilespmem:v13+s15+$0x0], $0xffff  }
0x99: {  	v13 =	vor.u32 $0xA, v2;
	v7 =	vld.idx.msk [tilespmem:v7+s13+$0x0], $0xffff  }
0x9a: {  	v3 =	vadd.f32 v4, v3;
	v4 =	vmul.f32 v6, v12;
	v12 =	vor.u32 $0xB, v1;
	v6 =	vld.idx.msk [tilespmem:v15+s15+$0x0], $0xffff  }
0x9b: {  	v15 =	vor.u32 $0xB, v2;
	v10 =	vld.idx.msk [tilespmem:v10+s13+$0x0], $0xffff  }
0x9c: {  	v3 =	vadd.f32 v4, v3;
	v4 =	vmul.f32 v8, v14;
	v14 =	vor.u32 $0xC, v1;
	v8 =	vld.idx.msk [tilespmem:v16+s15+$0x0], $0xffff  }
0x9d: {  	v16 =	vor.u32 $0xC, v2;
	v11 =	vld.idx.msk [tilespmem:v11+s13+$0x0], $0xffff  }
0x9e: {  	v3 =	vadd.f32 v4, v3;
	v4 =	vmul.f32 v5, v9;
	v9 =	vor.u32 $0xD, v1;
	v5 =	vld.idx.msk [tilespmem:v13+s15+$0x0], $0xffff  }
0x9f: {  	v13 =	vor.u32 $0xD, v2;
	v12 =	vld.idx.msk [tilespmem:v12+s13+$0x0], $0xffff  }
0xa0: {  	v3 =	vadd.f32 v4, v3;
	v4 =	vmul.f32 v6, v7;
	v7 =	vor.u32 $0xE, v1;
	v6 =	vld.idx.msk [tilespmem:v15+s15+$0x0], $0xffff  }
0xa1: {  	v15 =	vor.u32 $0xE, v2;
	v14 =	vld.idx.msk [tilespmem:v14+s13+$0x0], $0xffff  }
0xa2: {  	v3 =	vadd.f32 v4, v3;
	v4 =	vmul.f32 v8, v10;
	v10 =	vor.u32 $0xF, v1;
	v8 =	vld.idx.msk [tilespmem:v16+s15+$0x0], $0xffff  }
0xa3: {  	v16 =	vor.u32 $0xF, v2;
	v9 =	vld.idx.msk [tilespmem:v9+s13+$0x0], $0xffff  }
0xa4: {  	v3 =	vadd.f32 v4, v3;
	v4 =	vmul.f32 v5, v11;
	v11 =	vor.u32 $0x10, v1;
	v5 =	vld.idx.msk [tilespmem:v13+s15+$0x0], $0xffff  }
0xa5: {  	v13 =	vor.u32 $0x10, v2;
	v7 =	vld.idx.msk [tilespmem:v7+s13+$0x0], $0xffff  }
0xa6: {  	v3 =	vadd.f32 v4, v3;
	v4 =	vmul.f32 v6, v12;
	v12 =	vor.u32 $0x11, v1;
	v6 =	vld.idx.msk [tilespmem:v15+s15+$0x0], $0xffff  }
0xa7: {  	v15 =	vor.u32 $0x11, v2;
	v10 =	vld.idx.msk [tilespmem:v10+s13+$0x0], $0xffff  }
0xa8: {  	v3 =	vadd.f32 v4, v3;
	v4 =	vmul.f32 v8, v14;
	v14 =	vor.u32 $0x12, v1;
	v8 =	vld.idx.msk [tilespmem:v16+s15+$0x0], $0xffff  }
0xa9: {  	v16 =	vor.u32 $0x12, v2;
	v11 =	vld.idx.msk [tilespmem:v11+s13+$0x0], $0xffff  }
0xaa: {  	v3 =	vadd.f32 v4, v3;
	v4 =	vmul.f32 v5, v9;
	v9 =	vor.u32 $0x13, v1;
	v5 =	vld.idx.msk [tilespmem:v13+s15+$0x0], $0xffff  }
0xab: {  	v13 =	vor.u32 $0x13, v2;
	v12 =	vld.idx.msk [tilespmem:v12+s13+$0x0], $0xffff  }
0xac: {  	v3 =	vadd.f32 v4, v3;
	v4 =	vmul.f32 v6, v7;
	v7 =	vor.u32 $0x14, v1;
	v6 =	vld.idx.msk [tilespmem:v15+s15+$0x0], $0xffff  }
0xad: {  	v15 =	vor.u32 $0x14, v2;
	v14 =	vld.idx.msk [tilespmem:v14+s13+$0x0], $0xffff  }
0xae: {  	v3 =	vadd.f32 v4, v3;
	v4 =	vmul.f32 v8, v10;
	v10 =	vor.u32 $0x15, v1;
	v8 =	vld.idx.msk [tilespmem:v16+s15+$0x0], $0xffff  }
0xaf: {  	v16 =	vor.u32 $0x15, v2;
	v9 =	vld.idx.msk [tilespmem:v9+s13+$0x0], $0xffff  }
0xb0: {  	v3 =	vadd.f32 v4, v3;
	v4 =	vmul.f32 v5, v11;
	v11 =	vor.u32 $0x16, v1;
	v5 =	vld.idx.msk [tilespmem:v13+s15+$0x0], $0xffff  }
0xb1: {  	v13 =	vor.u32 $0x16, v2;
	v7 =	vld.idx.msk [tilespmem:v7+s13+$0x0], $0xffff  }
0xb2: {  	v3 =	vadd.f32 v4, v3;
	v4 =	vmul.f32 v6, v12;
	v12 =	vor.u32 $0x17, v1;
	v6 =	vld.idx.msk [tilespmem:v15+s15+$0x0], $0xffff  }
0xb3: {  	v15 =	vor.u32 $0x17, v2;
	v10 =	vld.idx.msk [tilespmem:v10+s13+$0x0], $0xffff  }
0xb4: {  	v3 =	vadd.f32 v4, v3;
	v4 =	vmul.f32 v8, v14;
	v14 =	vor.u32 $0x18, v1;
	v8 =	vld.idx.msk [tilespmem:v16+s15+$0x0], $0xffff  }
0xb5: {  	v16 =	vor.u32 $0x18, v2;
	v11 =	vld.idx.msk [tilespmem:v11+s13+$0x0], $0xffff  }
0xb6: {  	v3 =	vadd.f32 v4, v3;
	v4 =	vmul.f32 v5, v9;
	v9 =	vor.u32 $0x19, v1;
	v5 =	vld.idx.msk [tilespmem:v13+s15+$0x0], $0xffff  }
0xb7: {  	v13 =	vor.u32 $0x19, v2;
	v12 =	vld.idx.msk [tilespmem:v12+s13+$0x0], $0xffff  }
0xb8: {  	v3 =	vadd.f32 v4, v3;
	v4 =	vmul.f32 v6, v7;
	v7 =	vor.u32 $0x1A, v1;
	v6 =	vld.idx.msk [tilespmem:v15+s15+$0x0], $0xffff  }
0xb9: {  	v15 =	vor.u32 $0x1A, v2;
	v14 =	vld.idx.msk [tilespmem:v14+s13+$0x0], $0xffff  }
0xba: {  	v3 =	vadd.f32 v4, v3;
	v4 =	vmul.f32 v8, v10;
	v10 =	vor.u32 $0x1B, v1;
	v8 =	vld.idx.msk [tilespmem:v16+s15+$0x0], $0xffff  }
0xbb: {  	v16 =	vor.u32 $0x1B, v2;
	v9 =	vld.idx.msk [tilespmem:v9+s13+$0x0], $0xffff  }
0xbc: {  	v3 =	vadd.f32 v4, v3;
	v4 =	vmul.f32 v5, v11;
	v11 =	vor.u32 $0x1C, v1;
	v5 =	vld.idx.msk [tilespmem:v13+s15+$0x0], $0xffff  }
0xbd: {  	v13 =	vor.u32 $0x1C, v2;
	v7 =	vld.idx.msk [tilespmem:v7+s13+$0x0], $0xffff  }
0xbe: {  	v3 =	vadd.f32 v4, v3;
	v4 =	vmul.f32 v6, v12;
	v12 =	vor.u32 $0x1D, v1;
	v6 =	vld.idx.msk [tilespmem:v15+s15+$0x0], $0xffff  }
0xbf: {  	v15 =	vor.u32 $0x1D, v2;
	v10 =	vld.idx.msk [tilespmem:v10+s13+$0x0], $0xffff  }
0xc0: {  	v3 =	vadd.f32 v4, v3;
	v4 =	vmul.f32 v8, v14;
	v14 =	vor.u32 $0x1E, v1;
	v8 =	vld.idx.msk [tilespmem:v16+s15+$0x0], $0xffff  }
0xc1: {  	v16 =	vor.u32 $0x1E, v2;
	v11 =	vld.idx.msk [tilespmem:v11+s13+$0x0], $0xffff  }
0xc2: {  	v1 =	vor.u32 $0x1F, v1;
	v3 =	vadd.f32 v4, v3;
	v4 =	vmul.f32 v5, v9;
	v5 =	vld.idx.msk [tilespmem:v13+s15+$0x0], $0xffff  }
0xc3: {  	v2 =	vor.u32 $0x1F, v2;
	v9 =	vld.idx.msk [tilespmem:v12+s13+$0x0], $0xffff  }
0xc4: {  	v3 =	vadd.f32 v4, v3;
	v4 =	vmul.f32 v6, v7;
	v6 =	vld.idx.msk [tilespmem:v15+s15+$0x0], $0xffff  }
0xc5: {  	v7 =	vld.idx.msk [tilespmem:v14+s13+$0x0], $0xffff  }
0xc6: {  	v3 =	vadd.f32 v4, v3;
	v4 =	vmul.f32 v8, v10;
	v8 =	vld.idx.msk [tilespmem:v16+s15+$0x0], $0xffff  }
0xc7: {  	v1 =	vld.idx.msk [tilespmem:v1+s13+$0x0], $0xffff  }
0xc8: {  	v3 =	vadd.f32 v4, v3;
	v4 =	vmul.f32 v5, v11;
	v2 =	vld.idx.msk [tilespmem:v2+s15+$0x0], $0xffff;
	_ =	sdelay $0x1  }
0xc9: {  	v3 =	vadd.f32 v4, v3;
	v4 =	vmul.f32 v6, v9;
	_ =	sdelay $0x1  }
0xca: {  	v3 =	vadd.f32 v4, v3;
	v4 =	vmul.f32 v8, v7;
	_ =	sdelay $0x1  }
0xcb: {  	v3 =	vadd.f32 v4, v3;
	v1 =	vmul.f32 v2, v1;
	_ =	sdelay $0x1  }
0xcc: {  	v1 =	vadd.f32 v1, v3  }
.Ltmp1:
0xcd: {  	s22 =	sadd.s32 $0x10, s22;
	(pc) =	sbr.rel @p0 .LBB2_4-.Ltmp1, $4  }
0xce: {  	s26 =	sadd.s32 $0x10, s26;
	[tilespmem:s22+$0x0] =	vst v1  }
0xcf: {  	v2 =	vld [tilespmem:s26+$0x0]  }
0xd0: {  	s24 =	sadd.s32 $0x10, s24  }
0xd1: {  	s25 =	sadd.s32 $0x10, s25;
	v1 =	vld [tilespmem:s24+$0x0]  }
0xd2: {  	_ = 	snop  }
0xd3: {  	v3 =	vmov s23  }
0xd4: {  	v3 =	vshll.u32 v3, $0x7;
	v2 =	vshll.u32 v2, $0x5  }
0xd5: {  	v3 =	vor.u32 v0, v3;
	v2 =	vand.u32 $0x60, v2  }
0xd6: {  	v4 =	vshll.u32 v1, $0x5;
	v1 =	vor.u32 v3, v2  }
0xd7: {  	v2 =	vand.u32 $0x60, v4;
	v60 =	vor.u32 $0x1, v1  }
0xd8: {  	v2 =	vor.u32 v3, v2  }
0xd9: {  	v3 =	vor.u32 $0x1, v2  }
0xda: {  	v5 =	vor.u32 $0x2, v1  }
0xdb: {  	v7 =	vor.u32 $0x2, v2;
	v6 =	vld.idx.msk [tilespmem:v1+s13+$0x0], $0xffff  }
0xdc: {  	v8 =	vor.u32 $0x3, v1;
	v4 =	vld.idx.msk [tilespmem:v60+s13+$0x0], $0xffff  }
0xdd: {  	v10 =	vor.u32 $0x3, v2;
	v9 =	vld.idx.msk [tilespmem:v2+s15+$0x0], $0xffff  }
0xde: {  	v11 =	vor.u32 $0x4, v1;
	v3 =	vld.idx.msk [tilespmem:v3+s15+$0x0], $0xffff  }
0xdf: {  	v12 =	vor.u32 $0x4, v2;
	v5 =	vld.idx.msk [tilespmem:v5+s13+$0x0], $0xffff  }
0xe0: {  	v13 =	vor.u32 $0x5, v1;
	v7 =	vld.idx.msk [tilespmem:v7+s15+$0x0], $0xffff  }
0xe1: {  	v14 =	vor.u32 $0x5, v2;
	v8 =	vld.idx.msk [tilespmem:v8+s13+$0x0], $0xffff  }
0xe2: {  	v15 =	vor.u32 $0x6, v1;
	v10 =	vld.idx.msk [tilespmem:v10+s15+$0x0], $0xffff  }
0xe3: {  	v16 =	vor.u32 $0x6, v2;
	v11 =	vld.idx.msk [tilespmem:v11+s13+$0x0], $0xffff;
	v6 =	vmul.f32 v9, v6;
	v3 =	vmul.f32 v3, v4  }
0xe4: {  	v20 =	vor.u32 $0x7, v2;
	v61 =	vld.idx.msk [tilespmem:v12+s15+$0x0], $0xffff  }
0xe5: {  	v62 =	vor.u32 $0x7, v1;
	v63 =	vld.idx.msk [tilespmem:v13+s13+$0x0], $0xffff;
	v5 =	vmul.f32 v7, v5;
	v3 =	vadd.f32 v3, v6  }
0xe6: {  	v24 =	vor.u32 $0x8, v2;
	v21 =	vld.idx.msk [tilespmem:v14+s15+$0x0], $0xffff  }
0xe7: {  	v22 =	vor.u32 $0x8, v1;
	v23 =	vld.idx.msk [tilespmem:v15+s13+$0x0], $0xffff;
	v25 =	vmul.f32 v10, v8;
	v3 =	vadd.f32 v5, v3  }
0xe8: {  	v28 =	vor.u32 $0x9, v2;
	v26 =	vld.idx.msk [tilespmem:v16+s15+$0x0], $0xffff  }
0xe9: {  	v27 =	vor.u32 $0x9, v1;
	v29 =	vld.idx.msk [tilespmem:v20+s15+$0x0], $0xffff;
	v4 =	vmul.f32 v61, v11;
	v3 =	vadd.f32 v25, v3  }
0xea: {  	v31 =	vor.u32 $0xA, v2;
	v9 =	vld.idx.msk [tilespmem:v62+s13+$0x0], $0xffff  }
0xeb: {  	v30 =	vor.u32 $0xA, v1;
	v33 =	vld.idx.msk [tilespmem:v24+s15+$0x0], $0xffff;
	v32 =	vmul.f32 v21, v63;
	v3 =	vadd.f32 v4, v3  }
0xec: {  	v34 =	vor.u32 $0xB, v1;
	v7 =	vld.idx.msk [tilespmem:v22+s13+$0x0], $0xffff  }
0xed: {  	v35 =	vor.u32 $0xB, v2;
	v37 =	vld.idx.msk [tilespmem:v28+s15+$0x0], $0xffff;
	v36 =	vmul.f32 v26, v23;
	v3 =	vadd.f32 v32, v3  }
0xee: {  	v38 =	vor.u32 $0xC, v1;
	v10 =	vld.idx.msk [tilespmem:v27+s13+$0x0], $0xffff  }
0xef: {  	v39 =	vor.u32 $0xC, v2;
	v41 =	vld.idx.msk [tilespmem:v31+s15+$0x0], $0xffff;
	v40 =	vmul.f32 v29, v9;
	v3 =	vadd.f32 v36, v3  }
0xf0: {  	v43 =	vor.u32 $0xD, v2;
	v11 =	vld.idx.msk [tilespmem:v30+s13+$0x0], $0xffff  }
0xf1: {  	v42 =	vor.u32 $0xD, v1;
	v12 =	vld.idx.msk [tilespmem:v34+s13+$0x0], $0xffff;
	v44 =	vmul.f32 v33, v7;
	v3 =	vadd.f32 v40, v3  }
0xf2: {  	v47 =	vor.u32 $0xE, v2;
	v45 =	vld.idx.msk [tilespmem:v35+s15+$0x0], $0xffff  }
0xf3: {  	v46 =	vor.u32 $0xE, v1;
	v14 =	vld.idx.msk [tilespmem:v38+s13+$0x0], $0xffff;
	v48 =	vmul.f32 v37, v10;
	v3 =	vadd.f32 v44, v3  }
0xf4: {  	v51 =	vor.u32 $0xF, v2;
	v49 =	vld.idx.msk [tilespmem:v39+s15+$0x0], $0xffff  }
0xf5: {  	v50 =	vor.u32 $0xF, v1;
	v53 =	vld.idx.msk [tilespmem:v43+s15+$0x0], $0xffff;
	v52 =	vmul.f32 v41, v11;
	v3 =	vadd.f32 v48, v3  }
0xf6: {  	v55 =	vor.u32 $0x10, v2;
	v9 =	vld.idx.msk [tilespmem:v42+s13+$0x0], $0xffff  }
0xf7: {  	v54 =	vor.u32 $0x10, v1;
	v57 =	vld.idx.msk [tilespmem:v47+s15+$0x0], $0xffff;
	v56 =	vmul.f32 v45, v12;
	v3 =	vadd.f32 v52, v3  }
0xf8: {  	v59 =	vor.u32 $0x11, v2;
	v7 =	vld.idx.msk [tilespmem:v46+s13+$0x0], $0xffff  }
0xf9: {  	v58 =	vor.u32 $0x11, v1;
	v60 =	vmul.f32 v49, v14;
	v61 =	vld.idx.msk [tilespmem:v51+s15+$0x0], $0xffff;
	v3 =	vadd.f32 v56, v3  }
0xfa: {  	v62 =	vor.u32 $0x12, v1;
	v10 =	vld.idx.msk [tilespmem:v50+s13+$0x0], $0xffff  }
0xfb: {  	v20 =	vld.idx.msk [tilespmem:v55+s15+$0x0], $0xffff;
	v63 =	vor.u32 $0x12, v2;
	v19 =	vmul.f32 v53, v9;
	v3 =	vadd.f32 v60, v3  }
0xfc: {  	v21 =	vor.u32 $0x13, v1;
	v11 =	vld.idx.msk [tilespmem:v54+s13+$0x0], $0xffff  }
0xfd: {  	v24 =	vld.idx.msk [tilespmem:v59+s15+$0x0], $0xffff;
	v22 =	vor.u32 $0x13, v2;
	v23 =	vmul.f32 v57, v7;
	v3 =	vadd.f32 v19, v3  }
0xfe: {  	v12 =	vld.idx.msk [tilespmem:v58+s13+$0x0], $0xffff;
	v25 =	vor.u32 $0x14, v1  }
0xff: {  	v26 =	vor.u32 $0x14, v2;
	v14 =	vld.idx.msk [tilespmem:v62+s13+$0x0], $0xffff;
	v27 =	vmul.f32 v61, v10;
	v3 =	vadd.f32 v23, v3  }
0x100: {  	v29 =	vor.u32 $0x15, v1;
	v28 =	vld.idx.msk [tilespmem:v63+s15+$0x0], $0xffff  }
0x101: {  	v30 =	vor.u32 $0x15, v2;
	v9 =	vld.idx.msk [tilespmem:v21+s13+$0x0], $0xffff;
	v31 =	vmul.f32 v20, v11;
	v3 =	vadd.f32 v27, v3  }
0x102: {  	v33 =	vor.u32 $0x16, v1;
	v32 =	vld.idx.msk [tilespmem:v22+s15+$0x0], $0xffff  }
0x103: {  	v34 =	vor.u32 $0x16, v2;
	v35 =	vmul.f32 v24, v12;
	v7 =	vld.idx.msk [tilespmem:v25+s13+$0x0], $0xffff;
	v3 =	vadd.f32 v31, v3  }
0x104: {  	v37 =	vor.u32 $0x17, v1;
	v36 =	vld.idx.msk [tilespmem:v26+s15+$0x0], $0xffff  }
0x105: {  	v38 =	vor.u32 $0x17, v2;
	v10 =	vld.idx.msk [tilespmem:v29+s13+$0x0], $0xffff;
	v39 =	vmul.f32 v28, v14;
	v3 =	vadd.f32 v35, v3  }
0x106: {  	v41 =	vor.u32 $0x18, v1;
	v40 =	vld.idx.msk [tilespmem:v30+s15+$0x0], $0xffff  }
0x107: {  	v42 =	vor.u32 $0x18, v2;
	v11 =	vld.idx.msk [tilespmem:v33+s13+$0x0], $0xffff;
	v43 =	vmul.f32 v32, v9;
	v3 =	vadd.f32 v39, v3  }
0x108: {  	v45 =	vor.u32 $0x19, v1;
	v44 =	vld.idx.msk [tilespmem:v34+s15+$0x0], $0xffff  }
0x109: {  	v46 =	vor.u32 $0x19, v2;
	v12 =	vld.idx.msk [tilespmem:v37+s13+$0x0], $0xffff;
	v47 =	vmul.f32 v36, v7;
	v3 =	vadd.f32 v43, v3  }
0x10a: {  	v49 =	vor.u32 $0x1A, v1;
	v48 =	vld.idx.msk [tilespmem:v38+s15+$0x0], $0xffff  }
0x10b: {  	v50 =	vor.u32 $0x1A, v2;
	v14 =	vld.idx.msk [tilespmem:v41+s13+$0x0], $0xffff;
	v51 =	vmul.f32 v40, v10;
	v3 =	vadd.f32 v47, v3  }
0x10c: {  	v54 =	vor.u32 $0x1B, v2;
	v52 =	vld.idx.msk [tilespmem:v42+s15+$0x0], $0xffff  }
0x10d: {  	v53 =	vor.u32 $0x1B, v1;
	v9 =	vld.idx.msk [tilespmem:v45+s13+$0x0], $0xffff;
	v55 =	vmul.f32 v44, v11;
	v3 =	vadd.f32 v51, v3  }
0x10e: {  	v58 =	vor.u32 $0x1C, v2;
	v56 =	vld.idx.msk [tilespmem:v46+s15+$0x0], $0xffff  }
0x10f: {  	v57 =	vor.u32 $0x1C, v1;
	v7 =	vld.idx.msk [tilespmem:v49+s13+$0x0], $0xffff;
	v59 =	vmul.f32 v48, v12;
	v3 =	vadd.f32 v55, v3  }
0x110: {  	v61 =	vor.u32 $0x1D, v1;
	v60 =	vld.idx.msk [tilespmem:v50+s15+$0x0], $0xffff  }
0x111: {  	v62 =	vor.u32 $0x1D, v2;
	v20 =	vld.idx.msk [tilespmem:v54+s15+$0x0], $0xffff;
	v63 =	vmul.f32 v52, v14;
	v3 =	vadd.f32 v59, v3  }
0x112: {  	v21 =	vor.u32 $0x1E, v1;
	v10 =	vld.idx.msk [tilespmem:v53+s13+$0x0], $0xffff  }
0x113: {  	v24 =	vld.idx.msk [tilespmem:v58+s15+$0x0], $0xffff;
	v22 =	vor.u32 $0x1E, v2;
	v23 =	vmul.f32 v56, v9;
	v3 =	vadd.f32 v63, v3  }
0x114: {  	v1 =	vor.u32 $0x1F, v1;
	v11 =	vld.idx.msk [tilespmem:v57+s13+$0x0], $0xffff  }
0x115: {  	v2 =	vor.u32 $0x1F, v2;
	v25 =	vld.idx.msk [tilespmem:v61+s13+$0x0], $0xffff;
	v26 =	vmul.f32 v60, v7;
	v3 =	vadd.f32 v23, v3  }
0x116: {  	v27 =	vld.idx.msk [tilespmem:v62+s15+$0x0], $0xffff  }
0x117: {  	v28 =	vld.idx.msk [tilespmem:v21+s13+$0x0], $0xffff;
	v29 =	vmul.f32 v20, v10;
	v3 =	vadd.f32 v26, v3  }
0x118: {  	v30 =	vld.idx.msk [tilespmem:v22+s15+$0x0], $0xffff  }
0x119: {  	v1 =	vld.idx.msk [tilespmem:v1+s13+$0x0], $0xffff;
	v31 =	vmul.f32 v24, v11;
	v3 =	vadd.f32 v29, v3  }
0x11a: {  	v2 =	vld.idx.msk [tilespmem:v2+s15+$0x0], $0xffff  }
0x11b: {  	v32 =	vmul.f32 v27, v25;
	v3 =	vadd.f32 v31, v3;
	_ =	sdelay $0x1  }
0x11c: {  	v33 =	vmul.f32 v30, v28;
	v3 =	vadd.f32 v32, v3;
	_ =	sdelay $0x1  }
0x11d: {  	v1 =	vmul.f32 v2, v1;
	v3 =	vadd.f32 v33, v3;
	_ =	sdelay $0x1  }
0x11e: {  	v1 =	vadd.f32 v1, v3  }
0x11f: {  	s22 =	sadd.s32 $0x10, s22  }
0x120: {  	s29 =	simm.s32 $0x100;
	[tilespmem:s22+$0x0] =	vst v1  }
0x121: {  	[tilespmem:s13], [sflag:$0x1] =	stream.indirect.gather [hbm4b:s3+s29], $0x80, s18, s29, $0xb8;
	[tilespmem:$0x10A00] =	vst v63  }
0x122: {  	_ = 	snop  }
0x123: {  	[tilespmem:s15], [sflag:$0x2] =	stream.indirect.gather [hbm4b:s4+s29], $0x80, s19, s29, $0xb8;
	[tilespmem:$0x10A00] =	vst v63  }
0x124: {  	_ =	swait.ge [sflag:s16], $0x8000  }
0x125: {  	[sflag:s16] =	ssyncset.done $0x0  }
0x126: {  	[sflag:s16] =	ssyncadd.s32 $0xFFFF8000  }
0x127: {  	_ =	swait.ge [sflag:s17], $0x8000  }
0x128: {  	[sflag:s17] =	ssyncset.done $0x0  }
0x129: {  	[sflag:s17] =	ssyncadd.s32 $0xFFFF8000  }
0x12a: {  	s30 =	simm.s32 $0x300;
	v1 =	vld [tilespmem:s29+$0x0]  }
0x12b: {  	v2 =	vld [tilespmem:s30+$0x0];
	_ =	sdelay $0x1  }
0x12c: {  	s31 =	simm.s32 $0x0  }
0x12d: {  	v3 =	vmov s31  }
0x12e: {  	v3 =	vshll.u32 v3, $0x7;
	v1 =	vshll.u32 v1, $0x5  }
0x12f: {  	v3 =	vor.u32 v0, v3;
	v2 =	vshll.u32 v2, $0x5;
	v1 =	vand.u32 $0x60, v1  }
0x130: {  	v2 =	vand.u32 $0x60, v2;
	v1 =	vor.u32 v3, v1  }
0x131: {  	v2 =	vor.u32 v3, v2  }
0x132: {  	v34 =	vor.u32 $0x1, v1  }
0x133: {  	v3 =	vor.u32 $0x1, v2  }
0x134: {  	v35 =	vor.u32 $0x2, v1  }
0x135: {  	v37 =	vor.u32 $0x2, v2;
	v36 =	vld.idx.msk [tilespmem:v1+s13+$0x0], $0xffff  }
0x136: {  	v38 =	vor.u32 $0x3, v1;
	v39 =	vld.idx.msk [tilespmem:v2+s15+$0x0], $0xffff  }
0x137: {  	v40 =	vor.u32 $0x3, v2;
	v4 =	vld.idx.msk [tilespmem:v34+s13+$0x0], $0xffff  }
0x138: {  	v41 =	vor.u32 $0x4, v1;
	v3 =	vld.idx.msk [tilespmem:v3+s15+$0x0], $0xffff  }
0x139: {  	v42 =	vor.u32 $0x4, v2;
	v5 =	vld.idx.msk [tilespmem:v35+s13+$0x0], $0xffff  }
0x13a: {  	v43 =	vor.u32 $0x5, v1;
	v7 =	vld.idx.msk [tilespmem:v37+s15+$0x0], $0xffff  }
0x13b: {  	v44 =	vor.u32 $0x5, v2;
	v8 =	vld.idx.msk [tilespmem:v38+s13+$0x0], $0xffff  }
0x13c: {  	v45 =	vor.u32 $0x6, v1;
	v10 =	vld.idx.msk [tilespmem:v40+s15+$0x0], $0xffff  }
0x13d: {  	v46 =	vor.u32 $0x6, v2;
	v11 =	vld.idx.msk [tilespmem:v41+s13+$0x0], $0xffff;
	v6 =	vmul.f32 v39, v36;
	v3 =	vmul.f32 v3, v4  }
0x13e: {  	v48 =	vor.u32 $0x7, v1;
	v47 =	vld.idx.msk [tilespmem:v42+s15+$0x0], $0xffff  }
0x13f: {  	v50 =	vor.u32 $0x7, v2;
	v49 =	vld.idx.msk [tilespmem:v43+s13+$0x0], $0xffff;
	v5 =	vmul.f32 v7, v5;
	v3 =	vadd.f32 v3, v6  }
0x140: {  	v54 =	vor.u32 $0x8, v2;
	v51 =	vld.idx.msk [tilespmem:v44+s15+$0x0], $0xffff  }
0x141: {  	v52 =	vor.u32 $0x8, v1;
	v53 =	vld.idx.msk [tilespmem:v45+s13+$0x0], $0xffff;
	v55 =	vmul.f32 v10, v8;
	v3 =	vadd.f32 v5, v3  }
0x142: {  	v58 =	vor.u32 $0x9, v2;
	v56 =	vld.idx.msk [tilespmem:v46+s15+$0x0], $0xffff  }
0x143: {  	v57 =	vor.u32 $0x9, v1;
	v9 =	vld.idx.msk [tilespmem:v48+s13+$0x0], $0xffff;
	v4 =	vmul.f32 v47, v11;
	v3 =	vadd.f32 v55, v3  }
0x144: {  	v61 =	vor.u32 $0xA, v2;
	v59 =	vld.idx.msk [tilespmem:v50+s15+$0x0], $0xffff  }
0x145: {  	v60 =	vor.u32 $0xA, v1;
	v63 =	vld.idx.msk [tilespmem:v54+s15+$0x0], $0xffff;
	v62 =	vmul.f32 v51, v49;
	v3 =	vadd.f32 v4, v3  }
0x146: {  	v20 =	vor.u32 $0xB, v1;
	v7 =	vld.idx.msk [tilespmem:v52+s13+$0x0], $0xffff  }
0x147: {  	v21 =	vor.u32 $0xB, v2;
	v23 =	vld.idx.msk [tilespmem:v58+s15+$0x0], $0xffff;
	v22 =	vmul.f32 v56, v53;
	v3 =	vadd.f32 v62, v3  }
0x148: {  	v24 =	vor.u32 $0xC, v1;
	v10 =	vld.idx.msk [tilespmem:v57+s13+$0x0], $0xffff  }
0x149: {  	v25 =	vor.u32 $0xC, v2;
	v27 =	vld.idx.msk [tilespmem:v61+s15+$0x0], $0xffff;
	v26 =	vmul.f32 v59, v9;
	v3 =	vadd.f32 v22, v3  }
0x14a: {  	v29 =	vor.u32 $0xD, v2;
	v11 =	vld.idx.msk [tilespmem:v60+s13+$0x0], $0xffff  }
0x14b: {  	v28 =	vor.u32 $0xD, v1;
	v12 =	vld.idx.msk [tilespmem:v20+s13+$0x0], $0xffff;
	v30 =	vmul.f32 v63, v7;
	v3 =	vadd.f32 v26, v3  }
0x14c: {  	v33 =	vor.u32 $0xE, v2;
	v31 =	vld.idx.msk [tilespmem:v21+s15+$0x0], $0xffff  }
0x14d: {  	v32 =	vor.u32 $0xE, v1;
	v14 =	vld.idx.msk [tilespmem:v24+s13+$0x0], $0xffff;
	v34 =	vmul.f32 v23, v10;
	v3 =	vadd.f32 v30, v3  }
0x14e: {  	v35 =	vld.idx.msk [tilespmem:v25+s15+$0x0], $0xffff;
	v37 =	vor.u32 $0xF, v2  }
0x14f: {  	v36 =	vor.u32 $0xF, v1;
	v39 =	vld.idx.msk [tilespmem:v29+s15+$0x0], $0xffff;
	v38 =	vmul.f32 v27, v11;
	v3 =	vadd.f32 v34, v3  }
0x150: {  	v41 =	vor.u32 $0x10, v2;
	v9 =	vld.idx.msk [tilespmem:v28+s13+$0x0], $0xffff  }
0x151: {  	v40 =	vor.u32 $0x10, v1;
	v43 =	vld.idx.msk [tilespmem:v33+s15+$0x0], $0xffff;
	v42 =	vmul.f32 v31, v12;
	v3 =	vadd.f32 v38, v3  }
0x152: {  	v44 =	vor.u32 $0x11, v1;
	v7 =	vld.idx.msk [tilespmem:v32+s13+$0x0], $0xffff  }
0x153: {  	v45 =	vor.u32 $0x11, v2;
	v46 =	vmul.f32 v35, v14;
	v47 =	vld.idx.msk [tilespmem:v37+s15+$0x0], $0xffff;
	v3 =	vadd.f32 v42, v3  }
0x154: {  	v48 =	vor.u32 $0x12, v1;
	v10 =	vld.idx.msk [tilespmem:v36+s13+$0x0], $0xffff  }
0x155: {  	v49 =	vor.u32 $0x12, v2;
	v51 =	vld.idx.msk [tilespmem:v41+s15+$0x0], $0xffff;
	v50 =	vmul.f32 v39, v9;
	v3 =	vadd.f32 v46, v3  }
0x156: {  	v52 =	vor.u32 $0x13, v1;
	v11 =	vld.idx.msk [tilespmem:v40+s13+$0x0], $0xffff  }
0x157: {  	v12 =	vld.idx.msk [tilespmem:v44+s13+$0x0], $0xffff;
	v53 =	vor.u32 $0x13, v2;
	v54 =	vmul.f32 v43, v7;
	v3 =	vadd.f32 v50, v3  }
0x158: {  	v56 =	vor.u32 $0x14, v1;
	v55 =	vld.idx.msk [tilespmem:v45+s15+$0x0], $0xffff  }
0x159: {  	v14 =	vld.idx.msk [tilespmem:v48+s13+$0x0], $0xffff;
	v57 =	vor.u32 $0x14, v2;
	v58 =	vmul.f32 v47, v10;
	v3 =	vadd.f32 v54, v3  }
0x15a: {  	v60 =	vor.u32 $0x15, v1;
	v59 =	vld.idx.msk [tilespmem:v49+s15+$0x0], $0xffff  }
0x15b: {  	v61 =	vor.u32 $0x15, v2;
	v9 =	vld.idx.msk [tilespmem:v52+s13+$0x0], $0xffff;
	v62 =	vmul.f32 v51, v11;
	v3 =	vadd.f32 v58, v3  }
0x15c: {  	v19 =	vor.u32 $0x16, v1;
	v63 =	vld.idx.msk [tilespmem:v53+s15+$0x0], $0xffff  }
0x15d: {  	v20 =	vor.u32 $0x16, v2;
	v7 =	vld.idx.msk [tilespmem:v56+s13+$0x0], $0xffff;
	v21 =	vmul.f32 v55, v12;
	v3 =	vadd.f32 v62, v3  }
0x15e: {  	v23 =	vor.u32 $0x17, v1;
	v22 =	vld.idx.msk [tilespmem:v57+s15+$0x0], $0xffff  }
0x15f: {  	v24 =	vor.u32 $0x17, v2;
	v10 =	vld.idx.msk [tilespmem:v60+s13+$0x0], $0xffff;
	v25 =	vmul.f32 v59, v14;
	v3 =	vadd.f32 v21, v3  }
0x160: {  	v27 =	vor.u32 $0x18, v1;
	v26 =	vld.idx.msk [tilespmem:v61+s15+$0x0], $0xffff  }
0x161: {  	v28 =	vor.u32 $0x18, v2;
	v11 =	vld.idx.msk [tilespmem:v19+s13+$0x0], $0xffff;
	v29 =	vmul.f32 v63, v9;
	v3 =	vadd.f32 v25, v3  }
0x162: {  	v31 =	vor.u32 $0x19, v1;
	v30 =	vld.idx.msk [tilespmem:v20+s15+$0x0], $0xffff  }
0x163: {  	v32 =	vor.u32 $0x19, v2;
	v12 =	vld.idx.msk [tilespmem:v23+s13+$0x0], $0xffff;
	v33 =	vmul.f32 v22, v7;
	v3 =	vadd.f32 v29, v3  }
0x164: {  	v35 =	vor.u32 $0x1A, v1;
	v34 =	vld.idx.msk [tilespmem:v24+s15+$0x0], $0xffff  }
0x165: {  	v36 =	vor.u32 $0x1A, v2;
	v14 =	vld.idx.msk [tilespmem:v27+s13+$0x0], $0xffff;
	v37 =	vmul.f32 v26, v10;
	v3 =	vadd.f32 v33, v3  }
0x166: {  	v39 =	vor.u32 $0x1B, v1;
	v38 =	vld.idx.msk [tilespmem:v28+s15+$0x0], $0xffff  }
0x167: {  	v40 =	vor.u32 $0x1B, v2;
	v9 =	vld.idx.msk [tilespmem:v31+s13+$0x0], $0xffff;
	v41 =	vmul.f32 v30, v11;
	v3 =	vadd.f32 v37, v3  }
0x168: {  	v43 =	vor.u32 $0x1C, v1;
	v42 =	vld.idx.msk [tilespmem:v32+s15+$0x0], $0xffff  }
0x169: {  	v44 =	vor.u32 $0x1C, v2;
	v7 =	vld.idx.msk [tilespmem:v35+s13+$0x0], $0xffff;
	v45 =	vmul.f32 v34, v12;
	v3 =	vadd.f32 v41, v3  }
0x16a: {  	v48 =	vor.u32 $0x1D, v2;
	v46 =	vld.idx.msk [tilespmem:v36+s15+$0x0], $0xffff  }
0x16b: {  	v47 =	vor.u32 $0x1D, v1;
	v10 =	vld.idx.msk [tilespmem:v39+s13+$0x0], $0xffff;
	v49 =	vmul.f32 v38, v14;
	v3 =	vadd.f32 v45, v3  }
0x16c: {  	v52 =	vor.u32 $0x1E, v2;
	v50 =	vld.idx.msk [tilespmem:v40+s15+$0x0], $0xffff  }
0x16d: {  	v51 =	vor.u32 $0x1E, v1;
	v11 =	vld.idx.msk [tilespmem:v43+s13+$0x0], $0xffff;
	v53 =	vmul.f32 v42, v9;
	v3 =	vadd.f32 v49, v3  }
0x16e: {  	v2 =	vor.u32 $0x1F, v2;
	v54 =	vld.idx.msk [tilespmem:v44+s15+$0x0], $0xffff  }
0x16f: {  	v1 =	vor.u32 $0x1F, v1;
	v57 =	vld.idx.msk [tilespmem:v48+s15+$0x0], $0xffff;
	v56 =	vmul.f32 v46, v7;
	v3 =	vadd.f32 v53, v3  }
0x170: {  	v55 =	vld.idx.msk [tilespmem:v47+s13+$0x0], $0xffff  }
0x171: {  	v60 =	vld.idx.msk [tilespmem:v52+s15+$0x0], $0xffff;
	v59 =	vmul.f32 v50, v10;
	v3 =	vadd.f32 v56, v3  }
0x172: {  	v58 =	vld.idx.msk [tilespmem:v51+s13+$0x0], $0xffff  }
0x173: {  	v2 =	vld.idx.msk [tilespmem:v2+s15+$0x0], $0xffff;
	v61 =	vmul.f32 v54, v11;
	v3 =	vadd.f32 v59, v3  }
0x174: {  	v1 =	vld.idx.msk [tilespmem:v1+s13+$0x0], $0xffff  }
0x175: {  	v62 =	vmul.f32 v57, v55;
	v3 =	vadd.f32 v61, v3;
	_ =	sdelay $0x1  }
0x176: {  	v63 =	vmul.f32 v60, v58;
	v3 =	vadd.f32 v62, v3;
	_ =	sdelay $0x1  }
0x177: {  	v1 =	vmul.f32 v2, v1;
	v3 =	vadd.f32 v63, v3;
	_ =	sdelay $0x1  }
0x178: {  	v1 =	vadd.f32 v1, v3  }
0x179: {  	s22 =	simm.s32 $0x10900  }
0x17a: {  	s23 =	simm.s32 $0x110;
	[tilespmem:s22+$0x0] =	vst v1  }
0x17b: {  	v2 =	vld [tilespmem:s23+$0x0]  }
0x17c: {  	s24 =	simm.s32 $0x310  }
0x17d: {  	s25 =	simm.s32 $0x10;
	s26 =	simm.s32 $0x20;
	v1 =	vld [tilespmem:s24+$0x0]  }
.LBB2_6:
0x17e: {  	p0 =	sne.s32 s26, $0xF0  }
0x17f: {  	v3 =	vmov s25;
	s25 =	smov.u32 s26  }
0x180: {  	v3 =	vshll.u32 v3, $0x7;
	v2 =	vshll.u32 v2, $0x5  }
0x181: {  	v3 =	vor.u32 v0, v3;
	v2 =	vand.u32 $0x60, v2  }
0x182: {  	v4 =	vshll.u32 v1, $0x5;
	v1 =	vor.u32 v3, v2  }
0x183: {  	v2 =	vand.u32 $0x60, v4;
	v4 =	vor.u32 $0x1, v1  }
0x184: {  	v2 =	vor.u32 v3, v2  }
0x185: {  	v3 =	vor.u32 $0x1, v2  }
0x186: {  	v5 =	vor.u32 $0x2, v1  }
0x187: {  	v7 =	vor.u32 $0x2, v2;
	v6 =	vld.idx.msk [tilespmem:v1+s13+$0x0], $0xffff  }
0x188: {  	v8 =	vor.u32 $0x3, v1;
	v4 =	vld.idx.msk [tilespmem:v4+s13+$0x0], $0xffff  }
0x189: {  	v10 =	vor.u32 $0x3, v2;
	v9 =	vld.idx.msk [tilespmem:v2+s15+$0x0], $0xffff  }
0x18a: {  	v11 =	vor.u32 $0x4, v1;
	v3 =	vld.idx.msk [tilespmem:v3+s15+$0x0], $0xffff  }
0x18b: {  	v12 =	vor.u32 $0x4, v2;
	v5 =	vld.idx.msk [tilespmem:v5+s13+$0x0], $0xffff  }
0x18c: {  	v13 =	vor.u32 $0x5, v1;
	v7 =	vld.idx.msk [tilespmem:v7+s15+$0x0], $0xffff  }
0x18d: {  	v14 =	vor.u32 $0x5, v2;
	v8 =	vld.idx.msk [tilespmem:v8+s13+$0x0], $0xffff  }
0x18e: {  	v15 =	vor.u32 $0x6, v1;
	v10 =	vld.idx.msk [tilespmem:v10+s15+$0x0], $0xffff  }
0x18f: {  	v16 =	vor.u32 $0x6, v2;
	v11 =	vld.idx.msk [tilespmem:v11+s13+$0x0], $0xffff  }
0x190: {  	v6 =	vmul.f32 v9, v6;
	v9 =	vor.u32 $0x7, v1;
	v3 =	vmul.f32 v3, v4;
	v4 =	vld.idx.msk [tilespmem:v12+s15+$0x0], $0xffff  }
0x191: {  	v12 =	vld.idx.msk [tilespmem:v13+s13+$0x0], $0xffff;
	v13 =	vor.u32 $0x7, v2  }
0x192: {  	v3 =	vadd.f32 v3, v6;
	v5 =	vmul.f32 v7, v5;
	v7 =	vor.u32 $0x8, v1;
	v6 =	vld.idx.msk [tilespmem:v14+s15+$0x0], $0xffff  }
0x193: {  	v14 =	vld.idx.msk [tilespmem:v15+s13+$0x0], $0xffff;
	v15 =	vor.u32 $0x8, v2  }
0x194: {  	v3 =	vadd.f32 v5, v3;
	v5 =	vmul.f32 v10, v8;
	v10 =	vor.u32 $0x9, v1;
	v8 =	vld.idx.msk [tilespmem:v16+s15+$0x0], $0xffff  }
0x195: {  	v16 =	vor.u32 $0x9, v2;
	v9 =	vld.idx.msk [tilespmem:v9+s13+$0x0], $0xffff  }
0x196: {  	v3 =	vadd.f32 v5, v3;
	v4 =	vmul.f32 v4, v11;
	v11 =	vor.u32 $0xA, v1;
	v5 =	vld.idx.msk [tilespmem:v13+s15+$0x0], $0xffff  }
0x197: {  	v13 =	vor.u32 $0xA, v2;
	v7 =	vld.idx.msk [tilespmem:v7+s13+$0x0], $0xffff  }
0x198: {  	v3 =	vadd.f32 v4, v3;
	v4 =	vmul.f32 v6, v12;
	v12 =	vor.u32 $0xB, v1;
	v6 =	vld.idx.msk [tilespmem:v15+s15+$0x0], $0xffff  }
0x199: {  	v15 =	vor.u32 $0xB, v2;
	v10 =	vld.idx.msk [tilespmem:v10+s13+$0x0], $0xffff  }
0x19a: {  	v3 =	vadd.f32 v4, v3;
	v4 =	vmul.f32 v8, v14;
	v14 =	vor.u32 $0xC, v1;
	v8 =	vld.idx.msk [tilespmem:v16+s15+$0x0], $0xffff  }
0x19b: {  	v16 =	vor.u32 $0xC, v2;
	v11 =	vld.idx.msk [tilespmem:v11+s13+$0x0], $0xffff  }
0x19c: {  	v3 =	vadd.f32 v4, v3;
	v4 =	vmul.f32 v5, v9;
	v9 =	vor.u32 $0xD, v1;
	v5 =	vld.idx.msk [tilespmem:v13+s15+$0x0], $0xffff  }
0x19d: {  	v13 =	vor.u32 $0xD, v2;
	v12 =	vld.idx.msk [tilespmem:v12+s13+$0x0], $0xffff  }
0x19e: {  	v3 =	vadd.f32 v4, v3;
	v4 =	vmul.f32 v6, v7;
	v7 =	vor.u32 $0xE, v1;
	v6 =	vld.idx.msk [tilespmem:v15+s15+$0x0], $0xffff  }
0x19f: {  	v15 =	vor.u32 $0xE, v2;
	v14 =	vld.idx.msk [tilespmem:v14+s13+$0x0], $0xffff  }
0x1a0: {  	v3 =	vadd.f32 v4, v3;
	v4 =	vmul.f32 v8, v10;
	v10 =	vor.u32 $0xF, v1;
	v8 =	vld.idx.msk [tilespmem:v16+s15+$0x0], $0xffff  }
0x1a1: {  	v16 =	vor.u32 $0xF, v2;
	v9 =	vld.idx.msk [tilespmem:v9+s13+$0x0], $0xffff  }
0x1a2: {  	v3 =	vadd.f32 v4, v3;
	v4 =	vmul.f32 v5, v11;
	v11 =	vor.u32 $0x10, v1;
	v5 =	vld.idx.msk [tilespmem:v13+s15+$0x0], $0xffff  }
0x1a3: {  	v13 =	vor.u32 $0x10, v2;
	v7 =	vld.idx.msk [tilespmem:v7+s13+$0x0], $0xffff  }
0x1a4: {  	v3 =	vadd.f32 v4, v3;
	v4 =	vmul.f32 v6, v12;
	v12 =	vor.u32 $0x11, v1;
	v6 =	vld.idx.msk [tilespmem:v15+s15+$0x0], $0xffff  }
0x1a5: {  	v15 =	vor.u32 $0x11, v2;
	v10 =	vld.idx.msk [tilespmem:v10+s13+$0x0], $0xffff  }
0x1a6: {  	v3 =	vadd.f32 v4, v3;
	v4 =	vmul.f32 v8, v14;
	v14 =	vor.u32 $0x12, v1;
	v8 =	vld.idx.msk [tilespmem:v16+s15+$0x0], $0xffff  }
0x1a7: {  	v16 =	vor.u32 $0x12, v2;
	v11 =	vld.idx.msk [tilespmem:v11+s13+$0x0], $0xffff  }
0x1a8: {  	v3 =	vadd.f32 v4, v3;
	v4 =	vmul.f32 v5, v9;
	v9 =	vor.u32 $0x13, v1;
	v5 =	vld.idx.msk [tilespmem:v13+s15+$0x0], $0xffff  }
0x1a9: {  	v13 =	vor.u32 $0x13, v2;
	v12 =	vld.idx.msk [tilespmem:v12+s13+$0x0], $0xffff  }
0x1aa: {  	v3 =	vadd.f32 v4, v3;
	v4 =	vmul.f32 v6, v7;
	v7 =	vor.u32 $0x14, v1;
	v6 =	vld.idx.msk [tilespmem:v15+s15+$0x0], $0xffff  }
0x1ab: {  	v15 =	vor.u32 $0x14, v2;
	v14 =	vld.idx.msk [tilespmem:v14+s13+$0x0], $0xffff  }
0x1ac: {  	v3 =	vadd.f32 v4, v3;
	v4 =	vmul.f32 v8, v10;
	v10 =	vor.u32 $0x15, v1;
	v8 =	vld.idx.msk [tilespmem:v16+s15+$0x0], $0xffff  }
0x1ad: {  	v16 =	vor.u32 $0x15, v2;
	v9 =	vld.idx.msk [tilespmem:v9+s13+$0x0], $0xffff  }
0x1ae: {  	v3 =	vadd.f32 v4, v3;
	v4 =	vmul.f32 v5, v11;
	v11 =	vor.u32 $0x16, v1;
	v5 =	vld.idx.msk [tilespmem:v13+s15+$0x0], $0xffff  }
0x1af: {  	v13 =	vor.u32 $0x16, v2;
	v7 =	vld.idx.msk [tilespmem:v7+s13+$0x0], $0xffff  }
0x1b0: {  	v3 =	vadd.f32 v4, v3;
	v4 =	vmul.f32 v6, v12;
	v12 =	vor.u32 $0x17, v1;
	v6 =	vld.idx.msk [tilespmem:v15+s15+$0x0], $0xffff  }
0x1b1: {  	v15 =	vor.u32 $0x17, v2;
	v10 =	vld.idx.msk [tilespmem:v10+s13+$0x0], $0xffff  }
0x1b2: {  	v3 =	vadd.f32 v4, v3;
	v4 =	vmul.f32 v8, v14;
	v14 =	vor.u32 $0x18, v1;
	v8 =	vld.idx.msk [tilespmem:v16+s15+$0x0], $0xffff  }
0x1b3: {  	v16 =	vor.u32 $0x18, v2;
	v11 =	vld.idx.msk [tilespmem:v11+s13+$0x0], $0xffff  }
0x1b4: {  	v3 =	vadd.f32 v4, v3;
	v4 =	vmul.f32 v5, v9;
	v9 =	vor.u32 $0x19, v1;
	v5 =	vld.idx.msk [tilespmem:v13+s15+$0x0], $0xffff  }
0x1b5: {  	v13 =	vor.u32 $0x19, v2;
	v12 =	vld.idx.msk [tilespmem:v12+s13+$0x0], $0xffff  }
0x1b6: {  	v3 =	vadd.f32 v4, v3;
	v4 =	vmul.f32 v6, v7;
	v7 =	vor.u32 $0x1A, v1;
	v6 =	vld.idx.msk [tilespmem:v15+s15+$0x0], $0xffff  }
0x1b7: {  	v15 =	vor.u32 $0x1A, v2;
	v14 =	vld.idx.msk [tilespmem:v14+s13+$0x0], $0xffff  }
0x1b8: {  	v3 =	vadd.f32 v4, v3;
	v4 =	vmul.f32 v8, v10;
	v10 =	vor.u32 $0x1B, v1;
	v8 =	vld.idx.msk [tilespmem:v16+s15+$0x0], $0xffff  }
0x1b9: {  	v16 =	vor.u32 $0x1B, v2;
	v9 =	vld.idx.msk [tilespmem:v9+s13+$0x0], $0xffff  }
0x1ba: {  	v3 =	vadd.f32 v4, v3;
	v4 =	vmul.f32 v5, v11;
	v11 =	vor.u32 $0x1C, v1;
	v5 =	vld.idx.msk [tilespmem:v13+s15+$0x0], $0xffff  }
0x1bb: {  	v13 =	vor.u32 $0x1C, v2;
	v7 =	vld.idx.msk [tilespmem:v7+s13+$0x0], $0xffff  }
0x1bc: {  	v3 =	vadd.f32 v4, v3;
	v4 =	vmul.f32 v6, v12;
	v12 =	vor.u32 $0x1D, v1;
	v6 =	vld.idx.msk [tilespmem:v15+s15+$0x0], $0xffff  }
0x1bd: {  	v15 =	vor.u32 $0x1D, v2;
	v10 =	vld.idx.msk [tilespmem:v10+s13+$0x0], $0xffff  }
0x1be: {  	v3 =	vadd.f32 v4, v3;
	v4 =	vmul.f32 v8, v14;
	v14 =	vor.u32 $0x1E, v1;
	v8 =	vld.idx.msk [tilespmem:v16+s15+$0x0], $0xffff  }
0x1bf: {  	v16 =	vor.u32 $0x1E, v2;
	v11 =	vld.idx.msk [tilespmem:v11+s13+$0x0], $0xffff  }
0x1c0: {  	v1 =	vor.u32 $0x1F, v1;
	v3 =	vadd.f32 v4, v3;
	v4 =	vmul.f32 v5, v9;
	v5 =	vld.idx.msk [tilespmem:v13+s15+$0x0], $0xffff  }
0x1c1: {  	v2 =	vor.u32 $0x1F, v2;
	v9 =	vld.idx.msk [tilespmem:v12+s13+$0x0], $0xffff  }
0x1c2: {  	v3 =	vadd.f32 v4, v3;
	v4 =	vmul.f32 v6, v7;
	v6 =	vld.idx.msk [tilespmem:v15+s15+$0x0], $0xffff  }
0x1c3: {  	v7 =	vld.idx.msk [tilespmem:v14+s13+$0x0], $0xffff  }
0x1c4: {  	v3 =	vadd.f32 v4, v3;
	v4 =	vmul.f32 v8, v10;
	v8 =	vld.idx.msk [tilespmem:v16+s15+$0x0], $0xffff  }
0x1c5: {  	v1 =	vld.idx.msk [tilespmem:v1+s13+$0x0], $0xffff  }
0x1c6: {  	v3 =	vadd.f32 v4, v3;
	v4 =	vmul.f32 v5, v11;
	v2 =	vld.idx.msk [tilespmem:v2+s15+$0x0], $0xffff;
	_ =	sdelay $0x1  }
0x1c7: {  	v3 =	vadd.f32 v4, v3;
	v4 =	vmul.f32 v6, v9;
	_ =	sdelay $0x1  }
0x1c8: {  	v3 =	vadd.f32 v4, v3;
	v4 =	vmul.f32 v8, v7;
	_ =	sdelay $0x1  }
0x1c9: {  	v3 =	vadd.f32 v4, v3;
	v1 =	vmul.f32 v2, v1;
	_ =	sdelay $0x1  }
0x1ca: {  	v1 =	vadd.f32 v1, v3  }
.Ltmp2:
0x1cb: {  	s22 =	sadd.s32 $0x10, s22;
	(pc) =	sbr.rel @p0 .LBB2_6-.Ltmp2, $4  }
0x1cc: {  	s23 =	sadd.s32 $0x10, s23;
	[tilespmem:s22+$0x0] =	vst v1  }
0x1cd: {  	v2 =	vld [tilespmem:s23+$0x0]  }
0x1ce: {  	s24 =	sadd.s32 $0x10, s24  }
0x1cf: {  	s26 =	sadd.s32 $0x10, s26;
	v1 =	vld [tilespmem:s24+$0x0]  }
0x1d0: {  	_ = 	snop  }
0x1d1: {  	v3 =	vmov s25  }
0x1d2: {  	v3 =	vshll.u32 v3, $0x7;
	v2 =	vshll.u32 v2, $0x5  }
0x1d3: {  	v3 =	vor.u32 v0, v3;
	v2 =	vand.u32 $0x60, v2  }
0x1d4: {  	v4 =	vshll.u32 v1, $0x5;
	v1 =	vor.u32 v3, v2  }
0x1d5: {  	v2 =	vand.u32 $0x60, v4;
	v46 =	vor.u32 $0x1, v1  }
0x1d6: {  	v2 =	vor.u32 v3, v2  }
0x1d7: {  	v3 =	vor.u32 $0x1, v2  }
0x1d8: {  	v5 =	vor.u32 $0x2, v1  }
0x1d9: {  	v7 =	vor.u32 $0x2, v2;
	v6 =	vld.idx.msk [tilespmem:v1+s13+$0x0], $0xffff  }
0x1da: {  	v8 =	vor.u32 $0x3, v1;
	v4 =	vld.idx.msk [tilespmem:v46+s13+$0x0], $0xffff  }
0x1db: {  	v10 =	vor.u32 $0x3, v2;
	v9 =	vld.idx.msk [tilespmem:v2+s15+$0x0], $0xffff  }
0x1dc: {  	v11 =	vor.u32 $0x4, v1;
	v3 =	vld.idx.msk [tilespmem:v3+s15+$0x0], $0xffff  }
0x1dd: {  	v12 =	vor.u32 $0x4, v2;
	v5 =	vld.idx.msk [tilespmem:v5+s13+$0x0], $0xffff  }
0x1de: {  	v13 =	vor.u32 $0x5, v1;
	v7 =	vld.idx.msk [tilespmem:v7+s15+$0x0], $0xffff  }
0x1df: {  	v14 =	vor.u32 $0x5, v2;
	v8 =	vld.idx.msk [tilespmem:v8+s13+$0x0], $0xffff  }
0x1e0: {  	v15 =	vor.u32 $0x6, v1;
	v10 =	vld.idx.msk [tilespmem:v10+s15+$0x0], $0xffff  }
0x1e1: {  	v16 =	vor.u32 $0x6, v2;
	v11 =	vld.idx.msk [tilespmem:v11+s13+$0x0], $0xffff;
	v6 =	vmul.f32 v9, v6;
	v3 =	vmul.f32 v3, v4  }
0x1e2: {  	v50 =	vor.u32 $0x7, v2;
	v47 =	vld.idx.msk [tilespmem:v12+s15+$0x0], $0xffff  }
0x1e3: {  	v48 =	vor.u32 $0x7, v1;
	v49 =	vld.idx.msk [tilespmem:v13+s13+$0x0], $0xffff;
	v5 =	vmul.f32 v7, v5;
	v3 =	vadd.f32 v3, v6  }
0x1e4: {  	v54 =	vor.u32 $0x8, v2;
	v51 =	vld.idx.msk [tilespmem:v14+s15+$0x0], $0xffff  }
0x1e5: {  	v52 =	vor.u32 $0x8, v1;
	v53 =	vld.idx.msk [tilespmem:v15+s13+$0x0], $0xffff;
	v55 =	vmul.f32 v10, v8;
	v3 =	vadd.f32 v5, v3  }
0x1e6: {  	v58 =	vor.u32 $0x9, v2;
	v56 =	vld.idx.msk [tilespmem:v16+s15+$0x0], $0xffff  }
0x1e7: {  	v57 =	vor.u32 $0x9, v1;
	v59 =	vld.idx.msk [tilespmem:v50+s15+$0x0], $0xffff;
	v4 =	vmul.f32 v47, v11;
	v3 =	vadd.f32 v55, v3  }
0x1e8: {  	v61 =	vor.u32 $0xA, v2;
	v9 =	vld.idx.msk [tilespmem:v48+s13+$0x0], $0xffff  }
0x1e9: {  	v60 =	vor.u32 $0xA, v1;
	v63 =	vld.idx.msk [tilespmem:v54+s15+$0x0], $0xffff;
	v62 =	vmul.f32 v51, v49;
	v3 =	vadd.f32 v4, v3  }
0x1ea: {  	v20 =	vor.u32 $0xB, v1;
	v7 =	vld.idx.msk [tilespmem:v52+s13+$0x0], $0xffff  }
0x1eb: {  	v21 =	vor.u32 $0xB, v2;
	v23 =	vld.idx.msk [tilespmem:v58+s15+$0x0], $0xffff;
	v22 =	vmul.f32 v56, v53;
	v3 =	vadd.f32 v62, v3  }
0x1ec: {  	v24 =	vor.u32 $0xC, v1;
	v10 =	vld.idx.msk [tilespmem:v57+s13+$0x0], $0xffff  }
0x1ed: {  	v25 =	vor.u32 $0xC, v2;
	v27 =	vld.idx.msk [tilespmem:v61+s15+$0x0], $0xffff;
	v26 =	vmul.f32 v59, v9;
	v3 =	vadd.f32 v22, v3  }
0x1ee: {  	v29 =	vor.u32 $0xD, v2;
	v11 =	vld.idx.msk [tilespmem:v60+s13+$0x0], $0xffff  }
0x1ef: {  	v28 =	vor.u32 $0xD, v1;
	v12 =	vld.idx.msk [tilespmem:v20+s13+$0x0], $0xffff;
	v30 =	vmul.f32 v63, v7;
	v3 =	vadd.f32 v26, v3  }
0x1f0: {  	v33 =	vor.u32 $0xE, v2;
	v31 =	vld.idx.msk [tilespmem:v21+s15+$0x0], $0xffff  }
0x1f1: {  	v32 =	vor.u32 $0xE, v1;
	v14 =	vld.idx.msk [tilespmem:v24+s13+$0x0], $0xffff;
	v34 =	vmul.f32 v23, v10;
	v3 =	vadd.f32 v30, v3  }
0x1f2: {  	v37 =	vor.u32 $0xF, v2;
	v35 =	vld.idx.msk [tilespmem:v25+s15+$0x0], $0xffff  }
0x1f3: {  	v36 =	vor.u32 $0xF, v1;
	v39 =	vld.idx.msk [tilespmem:v29+s15+$0x0], $0xffff;
	v38 =	vmul.f32 v27, v11;
	v3 =	vadd.f32 v34, v3  }
0x1f4: {  	v41 =	vor.u32 $0x10, v2;
	v9 =	vld.idx.msk [tilespmem:v28+s13+$0x0], $0xffff  }
0x1f5: {  	v40 =	vor.u32 $0x10, v1;
	v43 =	vld.idx.msk [tilespmem:v33+s15+$0x0], $0xffff;
	v42 =	vmul.f32 v31, v12;
	v3 =	vadd.f32 v38, v3  }
0x1f6: {  	v44 =	vor.u32 $0x11, v1;
	v7 =	vld.idx.msk [tilespmem:v32+s13+$0x0], $0xffff  }
0x1f7: {  	v45 =	vor.u32 $0x11, v2;
	v46 =	vmul.f32 v35, v14;
	v47 =	vld.idx.msk [tilespmem:v37+s15+$0x0], $0xffff;
	v3 =	vadd.f32 v42, v3  }
0x1f8: {  	v48 =	vor.u32 $0x12, v1;
	v10 =	vld.idx.msk [tilespmem:v36+s13+$0x0], $0xffff  }
0x1f9: {  	v49 =	vor.u32 $0x12, v2;
	v51 =	vld.idx.msk [tilespmem:v41+s15+$0x0], $0xffff;
	v50 =	vmul.f32 v39, v9;
	v3 =	vadd.f32 v46, v3  }
0x1fa: {  	v53 =	vor.u32 $0x13, v2;
	v11 =	vld.idx.msk [tilespmem:v40+s13+$0x0], $0xffff  }
0x1fb: {  	v52 =	vor.u32 $0x13, v1;
	v12 =	vld.idx.msk [tilespmem:v44+s13+$0x0], $0xffff;
	v54 =	vmul.f32 v43, v7;
	v3 =	vadd.f32 v50, v3  }
0x1fc: {  	v56 =	vor.u32 $0x14, v1;
	v55 =	vld.idx.msk [tilespmem:v45+s15+$0x0], $0xffff  }
0x1fd: {  	v57 =	vor.u32 $0x14, v2;
	v14 =	vld.idx.msk [tilespmem:v48+s13+$0x0], $0xffff;
	v58 =	vmul.f32 v47, v10;
	v3 =	vadd.f32 v54, v3  }
0x1fe: {  	v60 =	vor.u32 $0x15, v1;
	v59 =	vld.idx.msk [tilespmem:v49+s15+$0x0], $0xffff  }
0x1ff: {  	v61 =	vor.u32 $0x15, v2;
	v63 =	vld.idx.msk [tilespmem:v53+s15+$0x0], $0xffff;
	v62 =	vmul.f32 v51, v11;
	v3 =	vadd.f32 v58, v3  }
0x200: {  	v19 =	vor.u32 $0x16, v1;
	v9 =	vld.idx.msk [tilespmem:v52+s13+$0x0], $0xffff  }
0x201: {  	v20 =	vor.u32 $0x16, v2;
	v7 =	vld.idx.msk [tilespmem:v56+s13+$0x0], $0xffff;
	v21 =	vmul.f32 v55, v12;
	v3 =	vadd.f32 v62, v3  }
0x202: {  	v23 =	vor.u32 $0x17, v1;
	v22 =	vld.idx.msk [tilespmem:v57+s15+$0x0], $0xffff  }
0x203: {  	v24 =	vor.u32 $0x17, v2;
	v10 =	vld.idx.msk [tilespmem:v60+s13+$0x0], $0xffff;
	v25 =	vmul.f32 v59, v14;
	v3 =	vadd.f32 v21, v3  }
0x204: {  	v27 =	vor.u32 $0x18, v1;
	v26 =	vld.idx.msk [tilespmem:v61+s15+$0x0], $0xffff  }
0x205: {  	v28 =	vor.u32 $0x18, v2;
	v11 =	vld.idx.msk [tilespmem:v19+s13+$0x0], $0xffff;
	v29 =	vmul.f32 v63, v9;
	v3 =	vadd.f32 v25, v3  }
0x206: {  	v31 =	vor.u32 $0x19, v1;
	v30 =	vld.idx.msk [tilespmem:v20+s15+$0x0], $0xffff  }
0x207: {  	v32 =	vor.u32 $0x19, v2;
	v12 =	vld.idx.msk [tilespmem:v23+s13+$0x0], $0xffff;
	v33 =	vmul.f32 v22, v7;
	v3 =	vadd.f32 v29, v3  }
0x208: {  	v35 =	vor.u32 $0x1A, v1;
	v34 =	vld.idx.msk [tilespmem:v24+s15+$0x0], $0xffff  }
0x209: {  	v36 =	vor.u32 $0x1A, v2;
	v14 =	vld.idx.msk [tilespmem:v27+s13+$0x0], $0xffff;
	v37 =	vmul.f32 v26, v10;
	v3 =	vadd.f32 v33, v3  }
0x20a: {  	v39 =	vor.u32 $0x1B, v1;
	v38 =	vld.idx.msk [tilespmem:v28+s15+$0x0], $0xffff  }
0x20b: {  	v40 =	vor.u32 $0x1B, v2;
	v9 =	vld.idx.msk [tilespmem:v31+s13+$0x0], $0xffff;
	v41 =	vmul.f32 v30, v11;
	v3 =	vadd.f32 v37, v3  }
0x20c: {  	v43 =	vor.u32 $0x1C, v1;
	v42 =	vld.idx.msk [tilespmem:v32+s15+$0x0], $0xffff  }
0x20d: {  	v44 =	vor.u32 $0x1C, v2;
	v7 =	vld.idx.msk [tilespmem:v35+s13+$0x0], $0xffff;
	v45 =	vmul.f32 v34, v12;
	v3 =	vadd.f32 v41, v3  }
0x20e: {  	v48 =	vor.u32 $0x1D, v2;
	v46 =	vld.idx.msk [tilespmem:v36+s15+$0x0], $0xffff  }
0x20f: {  	v47 =	vor.u32 $0x1D, v1;
	v10 =	vld.idx.msk [tilespmem:v39+s13+$0x0], $0xffff;
	v49 =	vmul.f32 v38, v14;
	v3 =	vadd.f32 v45, v3  }
0x210: {  	v52 =	vor.u32 $0x1E, v2;
	v50 =	vld.idx.msk [tilespmem:v40+s15+$0x0], $0xffff  }
0x211: {  	v51 =	vor.u32 $0x1E, v1;
	v11 =	vld.idx.msk [tilespmem:v43+s13+$0x0], $0xffff;
	v53 =	vmul.f32 v42, v9;
	v3 =	vadd.f32 v49, v3  }
0x212: {  	v2 =	vor.u32 $0x1F, v2;
	v54 =	vld.idx.msk [tilespmem:v44+s15+$0x0], $0xffff  }
0x213: {  	v1 =	vor.u32 $0x1F, v1;
	v57 =	vld.idx.msk [tilespmem:v48+s15+$0x0], $0xffff;
	v56 =	vmul.f32 v46, v7;
	v3 =	vadd.f32 v53, v3  }
0x214: {  	v55 =	vld.idx.msk [tilespmem:v47+s13+$0x0], $0xffff  }
0x215: {  	v60 =	vld.idx.msk [tilespmem:v52+s15+$0x0], $0xffff;
	v59 =	vmul.f32 v50, v10;
	v3 =	vadd.f32 v56, v3  }
0x216: {  	v58 =	vld.idx.msk [tilespmem:v51+s13+$0x0], $0xffff  }
0x217: {  	v2 =	vld.idx.msk [tilespmem:v2+s15+$0x0], $0xffff;
	v61 =	vmul.f32 v54, v11;
	v3 =	vadd.f32 v59, v3  }
0x218: {  	v1 =	vld.idx.msk [tilespmem:v1+s13+$0x0], $0xffff  }
0x219: {  	v62 =	vmul.f32 v57, v55;
	v3 =	vadd.f32 v61, v3;
	_ =	sdelay $0x1  }
0x21a: {  	v63 =	vmul.f32 v60, v58;
	v3 =	vadd.f32 v62, v3;
	_ =	sdelay $0x1  }
0x21b: {  	v1 =	vmul.f32 v2, v1;
	v3 =	vadd.f32 v63, v3;
	_ =	sdelay $0x1  }
0x21c: {  	s21 =	sadd.s32 $0x1, s21;
	v1 =	vadd.f32 v1, v3  }
0x21d: {  	s22 =	sadd.s32 $0x10, s22;
	p0 =	sne.s32 s21, s8  }
.Ltmp3:
0x21e: {  	[tilespmem:s22+$0x0] =	vst v1;
	(pc) =	sbr.rel @p0 .LBB2_1-.Ltmp3, $4  }
0x21f: {  	[hbm4b:s7+s1] =	stream.linear.scatter [tilespmem:s20], [sflag:$0x3], $0x200, $0x38;
	[tilespmem:$0x10A00] =	vst v63  }
0x220: {  	_ =	swait.ge [sflag:s9], $0x200  }
0x221: {  	[sflag:s9] =	ssyncset.done $0x0  }
0x222: {  	[sflag:s9] =	ssyncadd.s32 $0xFFFFFE00  }
0x223: {  	_ =	sfence.sel $0x180000  }
0x224: {  	[bflag:$0x0] =	sbarrier.arrive $0xFFFF  }
0x225: {  	p0 =	sne.s32 s2, $0x0;
	_ =	strace $0x90000047  }
0x226: {  	s0 =	sadd.s32 @!p0 $0x100000, s0;
	[bflag:$0x2] =	sbarrier.arrive $0xFFFF  }
0x227: {  	[sflag:s0] =	ssyncadd.tile.s32 @!p0 $0x1;
	_ =	shalt  }
.Lfunc_end2:
_tile_overlayer_lowered:
.L_overlay_start_2:
0x228: {  	(tag) =	ssettag $0x2  }
0x229: {  	s0 =	rddreg [dreg:$0x0];
	s2 =	stileid.u32  }
0x22a: {  	s1 =	rddreg [dreg:$0x1];
	p0 =	sne.s32 s2, $0x0  }
0x22b: {  	s3 =	rddreg [dreg:$0x2];
	[bflag:$0x3] =	sbarrier.arrive $0xFFFF;
	s2 =	simm.s32 @!p0 $0x1C03  }
0x22c: {  	[timem:s3], [sflag:s2] =	dma.local @!p0 [hbm:s0], s1  }
0x22d: {  	s0 =	simm.s32 @!p0 $0x3  }
0x22e: {  	_ =	swait.ge @!p0 [sflag:s0], s1  }
0x22f: {  	s1 =	ssub.s32 @!p0 $0x0, s1;
	[sflag:s0] =	ssyncset.done @!p0 $0x0  }
0x230: {  	[sflag:s0] =	ssyncadd.s32 @!p0 s1  }
0x231: {  	[bflag:$0x3] =	sbarrier.arrive $0xFFFF  }
0x232: {  	_ =	shalt  }

</sc_bundles>
